<compile_context>
chip_gen: v7x
topology: tpu7x:2x2x1
jax: 0.10.2.dev20260603
libtpu: 0.0.44.dev20260713+nightly
codegen_flags: <defaults>
</compile_context>

<pallas_src>
import functools

import jax
import jax.numpy as jnp
from jax import lax
from jax.experimental import pallas as pl
from jax.experimental.pallas import tpu as pltpu
from jax.experimental.pallas import tpu_sc as plsc

SPLIT = 15
_NW = 32
_RB = 16
_W = 512
_BLK = _RB * _W


def _sc_body(nblk, pred_hbm, target_hbm, maskf_hbm, out_hbm,
             mask_v0, mask_v1, p_v0, p_v1, t_v0, t_v1, part_v, sem0, sem1):
    c = lax.axis_index("c")
    s = lax.axis_index("s")
    w = s * 2 + c
    bufs = ((mask_v0, p_v0, t_v0, sem0), (mask_v1, p_v1, t_v1, sem1))

    def fire(k, buf):
        mask_v, p_v, t_v, sem = bufs[buf]
        blk = w * nblk + k
        b = blk // 32
        h = (blk % 32) * _RB
        hs = []
        hs.append(pltpu.async_copy(
            maskf_hbm.at[pl.ds(b * _W + h, _RB), :], mask_v, sem))
        for ch in range(3):
            prow = ((SPLIT + b) * 3 + ch) * _W + h
            hs.append(pltpu.async_copy(
                pred_hbm.at[pl.ds(prow, _RB), :],
                p_v.at[pl.ds(ch * _RB, _RB), :], sem))
            hs.append(pltpu.async_copy(
                target_hbm.at[pl.ds(prow, _RB), :],
                t_v.at[pl.ds(ch * _RB, _RB), :], sem))
        return hs

    def block_accum(buf, acc):
        mask_v, p_v, t_v, _ = bufs[buf]

        def body(g, carry):
            accs = list(carry[:2])
            ks = list(carry[2:])
            r = g // 4
            for j in range(8):
                o = (g % 4) * 128 + j * 16
                lane = j % 2
                m = 1.0 - mask_v[r, pl.ds(o, 16)]
                d0 = t_v[r, pl.ds(o, 16)] - p_v[r, pl.ds(o, 16)]
                d1 = (t_v[_RB + r, pl.ds(o, 16)]
                      - p_v[_RB + r, pl.ds(o, 16)])
                d2 = (t_v[2 * _RB + r, pl.ds(o, 16)]
                      - p_v[2 * _RB + r, pl.ds(o, 16)])
                accs[lane] = accs[lane] + (d0 * d0 + d1 * d1 + d2 * d2) * m
                ks[lane] = ks[lane] + m
            return (*accs, *ks)
        return lax.fori_loop(0, _RB * 4, body, acc)

    z = jnp.zeros((16,), jnp.float32)
    acc = (z, z, z, z)
    pending = fire(0, 0)
    for k in range(nblk):
        nxt = fire(k + 1, (k + 1) % 2) if k + 1 < nblk else []
        for h in pending:
            h.wait()
        acc = block_accum(k % 2, acc)
        pending = nxt

    part_v[pl.ds(0, 16)] = acc[0] + acc[1]
    part_v[pl.ds(16, 16)] = acc[2] + acc[3]
    pltpu.sync_copy(part_v.at[pl.ds(0, 16)], out_hbm.at[pl.ds(w * 16, 16)])
    pltpu.sync_copy(part_v.at[pl.ds(16, 16)],
                    out_hbm.at[pl.ds(_NW * 16 + w * 16, 16)])


def _tc_body(pred_ref, target_ref, mask_ref, out_ref, acc_ref):
    i = pl.program_id(0)

    @pl.when(i == 0)
    def _init():
        acc_ref[0] = 0.0
        acc_ref[1] = 0.0

    kf = 1.0 - mask_ref[0, 0].astype(jnp.float32)
    d = target_ref[0] - pred_ref[0]
    acc_ref[0] += jnp.sum(d * d * kf[None, :, :])
    acc_ref[1] += jnp.sum(kf) * 3.0

    @pl.when(i == pl.num_programs(0) - 1)
    def _fin():
        out_ref[0] = acc_ref[0]
        out_ref[1] = acc_ref[1]


def _combine_body(sc_ref, tc_ref, out_ref):
    s = jnp.sum(sc_ref[pl.ds(0, _NW * 16)]) + tc_ref[0]
    cnt = 3.0 * jnp.sum(sc_ref[pl.ds(_NW * 16, _NW * 16)]) + tc_ref[1]
    out_ref[0] = s / cnt


def kernel(pred, target, sky_mask):
    B, C, H, W = pred.shape
    bs = B - SPLIT
    nblk = bs * (H // _RB) // _NW

    maskf = sky_mask[SPLIT:].astype(jnp.float32).reshape(-1, W)
    sc_parts = pl.kernel(
        functools.partial(_sc_body, nblk),
        out_type=jax.ShapeDtypeStruct((_NW * 32,), jnp.float32),
        mesh=plsc.VectorSubcoreMesh(core_axis_name="c", subcore_axis_name="s"),
        compiler_params=pltpu.CompilerParams(use_tc_tiling_on_sc=True),
        scratch_types=[
            pltpu.VMEM((_RB, _W), jnp.float32),
            pltpu.VMEM((_RB, _W), jnp.float32),
            pltpu.VMEM((3 * _RB, _W), jnp.float32),
            pltpu.VMEM((3 * _RB, _W), jnp.float32),
            pltpu.VMEM((3 * _RB, _W), jnp.float32),
            pltpu.VMEM((3 * _RB, _W), jnp.float32),
            pltpu.VMEM((32,), jnp.float32),
            pltpu.SemaphoreType.DMA,
            pltpu.SemaphoreType.DMA,
        ],
    )(pred.reshape(-1, W), target.reshape(-1, W), maskf)

    if SPLIT > 0:
        tc_parts = pl.pallas_call(
            _tc_body,
            grid=(SPLIT,),
            compiler_params=pltpu.CompilerParams(
                allow_input_fusion=[False, False, True]),
            in_specs=[
                pl.BlockSpec((1, C, H, W), lambda i: (i, 0, 0, 0)),
                pl.BlockSpec((1, C, H, W), lambda i: (i, 0, 0, 0)),
                pl.BlockSpec((1, 1, H, W), lambda i: (i, 0, 0, 0)),
            ],
            out_specs=pl.BlockSpec(memory_space=pltpu.SMEM),
            out_shape=jax.ShapeDtypeStruct((2,), jnp.float32),
            scratch_shapes=[pltpu.SMEM((2,), jnp.float32)],
        )(pred, target, sky_mask.view(jnp.uint8))
    else:
        tc_parts = jnp.zeros((2,), jnp.float32)

    out = pl.pallas_call(
        _combine_body,
        in_specs=[
            pl.BlockSpec((_NW * 32,), lambda: (0,)),
            pl.BlockSpec(memory_space=pltpu.SMEM),
        ],
        out_specs=pl.BlockSpec(memory_space=pltpu.SMEM),
        out_shape=jax.ShapeDtypeStruct((1,), jnp.float32),
    )(sc_parts, tc_parts)
    return out[0]

# --- scband reference (transcript-rebuilt; emitter-appended) ---
"""Pipeline reference for scband-masked-mseloss-85701777424754 (READ-ONLY COPY).

The authoritative reference and input builder live on the scoring server;
editing this copy changes nothing except your own understanding.
"""

import jax, jax.numpy as jnp
import numpy as np


def setup_inputs(seed: int = 0) -> dict:
    key = jax.random.key(seed)
    k1, k2, k3 = jax.random.split(key, 3)
    pred = jax.random.normal(k1, (16, 3, 512, 512), dtype=jnp.float32)
    target = jax.random.normal(k2, (16, 3, 512, 512), dtype=jnp.float32)
    sky_mask = jax.random.randint(k3, (16, 1, 512, 512), 0, 2).astype(bool)
    return {"pred": pred, "target": target, "sky_mask": sky_mask}


def reference(pred, target, sky_mask):
    # Faithful translation of MaskedMSELoss.forward:
    #   if C == 3, the [B,1,H,W] mask is repeated across channels;
    #   loss = mean of squared diff over elements where ~sky_mask.
    # Boolean fancy-indexing (dynamic shapes) is replaced by the
    # mathematically identical masked-sum / count formulation.
    assert pred.ndim == target.ndim, 'inconsistent dimensions'
    keep = ~sky_mask
    if pred.shape[1] == 3:
        keep = jnp.broadcast_to(keep, pred.shape)
    cnt = jnp.sum(keep).astype(jnp.float32)
    sq = jnp.where(keep, (target - pred) ** 2, 0.0)
    return jnp.sum(sq) / cnt

if __name__ == "__main__":
    import jax
    _d = setup_inputs()
    print(jax.jit(kernel)(*tuple(_d.values())))

</pallas_src>

<mosaic_0001>
#map = affine_map<(d0, d1) -> (0, 0)>
#map1 = affine_map<(d0, d1) -> (0)>
module attributes {stable_mosaic.version = 14 : i64} {
  func.func @_sc_body(%arg0: i32, %arg1: i32, %arg2: memref<24576x512xf32, #tpu.memory_space<hbm>>, %arg3: memref<24576x512xf32, #tpu.memory_space<hbm>>, %arg4: memref<512x512xf32, #tpu.memory_space<hbm>>, %arg5: memref<1024xf32, #tpu.memory_space<hbm>>, %arg6: memref<16x512xf32, #tpu.memory_space<vmem>>, %arg7: memref<16x512xf32, #tpu.memory_space<vmem>>, %arg8: memref<48x512xf32, #tpu.memory_space<vmem>>, %arg9: memref<48x512xf32, #tpu.memory_space<vmem>>, %arg10: memref<48x512xf32, #tpu.memory_space<vmem>>, %arg11: memref<48x512xf32, #tpu.memory_space<vmem>>, %arg12: memref<32xf32, #tpu.memory_space<vmem>>, %arg13: memref<!tpu.dma_semaphore, #tpu.memory_space<semaphore_mem>>, %arg14: memref<!tpu.dma_semaphore, #tpu.memory_space<semaphore_mem>>) attributes {dimension_semantics = [#tpu.dimension_semantics<core_parallel>, #tpu.dimension_semantics<subcore_parallel>], iteration_bounds = array<i64: 2, 16>, scalar_prefetch = 0 : i64, scratch_operands = 9 : i64, tpu.core_type = #tpu.core_type<sc_vector_subcore>, window_params = [{transform_indices = #map}, {transform_indices = #map}, {transform_indices = #map}, {transform_indices = #map1}]} {
    %mul3A = arith.constant 2 : i32
    %mul3A_0 = arith.muli %arg1, %mul3A : i32
    %add3A = arith.addi %mul3A_0, %arg0 : i32
    %broadcast_in_dim3A = arith.constant 0.000000e+00 : f32
    %broadcast_in_dim3A_1 = vector.broadcast %broadcast_in_dim3A : f32 to vector<16xf32>
    %mul3A_2 = arith.constant 1 : i32
    %mul3A_3 = arith.muli %add3A, %mul3A_2 : i32
    %add3A_4 = arith.constant 0 : i32
    %add3A_5 = arith.addi %mul3A_3, %add3A_4 : i32
    %jit3A = arith.constant 32 : i32
    %div3A = arith.divsi %add3A_5, %jit3A : i32
    %sign3A = arith.constant 0 : i32
    %sign3A_6 = arith.cmpi sgt, %add3A_5, %sign3A : i32
    %sign3A_7 = arith.extui %sign3A_6 : i1 to i32
    %sign3A_8 = arith.constant 0 : i32
    %sign3A_9 = arith.cmpi slt, %add3A_5, %sign3A_8 : i32
    %sign3A_10 = arith.extui %sign3A_9 : i1 to i32
    %sign3A_11 = arith.subi %sign3A_7, %sign3A_10 : i32
    %sign3A_12 = arith.constant 0 : i32
    %sign3A_13 = arith.cmpi sgt, %jit3A, %sign3A_12 : i32
    %sign3A_14 = arith.extui %sign3A_13 : i1 to i32
    %sign3A_15 = arith.constant 0 : i32
    %sign3A_16 = arith.cmpi slt, %jit3A, %sign3A_15 : i32
    %sign3A_17 = arith.extui %sign3A_16 : i1 to i32
    %sign3A_18 = arith.subi %sign3A_14, %sign3A_17 : i32
    %ne3A = arith.cmpi ne, %sign3A_11, %sign3A_18 : i32
    %rem3A = arith.remsi %add3A_5, %jit3A : i32
    %ne3A_19 = arith.constant 0 : i32
    %ne3A_20 = arith.cmpi ne, %rem3A, %ne3A_19 : i32
    %and3A = arith.andi %ne3A, %ne3A_20 : i1
    %sub3A = arith.constant 1 : i32
    %sub3A_21 = arith.subi %div3A, %sub3A : i32
    %select_n3A = arith.select %and3A, %sub3A_21, %div3A : i32
    %jit3A_22 = arith.constant 32 : i32
    %eq3A = arith.constant 0 : i32
    %eq3A_23 = arith.cmpi eq, %jit3A_22, %eq3A : i32
    %jit3A_24 = arith.constant 1 : i32
    %select_n3A_25 = arith.select %eq3A_23, %jit3A_24, %jit3A_22 : i32
    %rem3A_26 = arith.remsi %add3A_5, %select_n3A_25 : i32
    %ne3A_27 = arith.constant 0 : i32
    %ne3A_28 = arith.cmpi ne, %rem3A_26, %ne3A_27 : i32
    %lt3A = arith.constant 0 : i32
    %lt3A_29 = arith.cmpi slt, %rem3A_26, %lt3A : i32
    %lt3A_30 = arith.constant 0 : i32
    %lt3A_31 = arith.cmpi slt, %select_n3A_25, %lt3A_30 : i32
    %ne3A_32 = arith.xori %lt3A_29, %lt3A_31 : i1
    %and3A_33 = arith.andi %ne3A_32, %ne3A_28 : i1
    %add3A_34 = arith.addi %rem3A_26, %select_n3A_25 : i32
    %select_n3A_35 = arith.select %and3A_33, %add3A_34, %rem3A_26 : i32
    %mul3A_36 = arith.constant 16 : i32
    %mul3A_37 = arith.muli %select_n3A_35, %mul3A_36 : i32
    %mul3A_38 = arith.constant 512 : i32
    %mul3A_39 = arith.muli %select_n3A, %mul3A_38 : i32
    %add3A_40 = arith.addi %mul3A_39, %mul3A_37 : i32
    %dma_start3A = arith.constant 0 : i32
    %dma_start3A_41 = tpu.memref_slice %arg4[%add3A_40, %dma_start3A] : memref<512x512xf32, #tpu.memory_space<hbm>> -> memref<16x512xf32, #tpu.memory_space<hbm>>
    %dma_start3A_42 = arith.constant 0 : i32
    %dma_start3A_43 = tpu.memref_slice %arg4[%add3A_40, %dma_start3A_42] : memref<512x512xf32, #tpu.memory_space<hbm>> -> memref<16x512xf32, #tpu.memory_space<hbm>>
    tpu.enqueue_dma source(%dma_start3A_43 : memref<16x512xf32, #tpu.memory_space<hbm>>) target(%arg6 : memref<16x512xf32, #tpu.memory_space<vmem>>) target_semaphore(%arg13 : memref<!tpu.dma_semaphore, #tpu.memory_space<semaphore_mem>>)
    %add3A_44 = arith.constant 15 : i32
    %add3A_45 = arith.addi %add3A_44, %select_n3A : i32
    %mul3A_46 = arith.constant 3 : i32
    %mul3A_47 = arith.muli %add3A_45, %mul3A_46 : i32
    %add3A_48 = arith.constant 0 : i32
    %add3A_49 = arith.addi %mul3A_47, %add3A_48 : i32
    %mul3A_50 = arith.constant 512 : i32
    %mul3A_51 = arith.muli %add3A_49, %mul3A_50 : i32
    %add3A_52 = arith.addi %mul3A_51, %mul3A_37 : i32
    %dma_start3A_53 = arith.constant 0 : i32
    %dma_start3A_54 = arith.constant 0 : i32
    %dma_start3A_55 = tpu.memref_slice %arg8[%dma_start3A_53, %dma_start3A_54] : memref<48x512xf32, #tpu.memory_space<vmem>> -> memref<16x512xf32, #tpu.memory_space<vmem>>
    %dma_start3A_56 = arith.constant 0 : i32
    %dma_start3A_57 = tpu.memref_slice %arg2[%add3A_52, %dma_start3A_56] : memref<24576x512xf32, #tpu.memory_space<hbm>> -> memref<16x512xf32, #tpu.memory_space<hbm>>
    %dma_start3A_58 = arith.constant 0 : i32
    %dma_start3A_59 = arith.constant 0 : i32
    %dma_start3A_60 = tpu.memref_slice %arg8[%dma_start3A_58, %dma_start3A_59] : memref<48x512xf32, #tpu.memory_space<vmem>> -> memref<16x512xf32, #tpu.memory_space<vmem>>
    %dma_start3A_61 = arith.constant 0 : i32
    %dma_start3A_62 = tpu.memref_slice %arg2[%add3A_52, %dma_start3A_61] : memref<24576x512xf32, #tpu.memory_space<hbm>> -> memref<16x512xf32, #tpu.memory_space<hbm>>
    tpu.enqueue_dma source(%dma_start3A_62 : memref<16x512xf32, #tpu.memory_space<hbm>>) target(%dma_start3A_60 : memref<16x512xf32, #tpu.memory_space<vmem>>) target_semaphore(%arg13 : memref<!tpu.dma_semaphore, #tpu.memory_space<semaphore_mem>>)
    %dma_start3A_63 = arith.constant 0 : i32
    %dma_start3A_64 = arith.constant 0 : i32
    %dma_start3A_65 = tpu.memref_slice %arg10[%dma_start3A_63, %dma_start3A_64] : memref<48x512xf32, #tpu.memory_space<vmem>> -> memref<16x512xf32, #tpu.memory_space<vmem>>
    %dma_start3A_66 = arith.constant 0 : i32
    %dma_start3A_67 = tpu.memref_slice %arg3[%add3A_52, %dma_start3A_66] : memref<24576x512xf32, #tpu.memory_space<hbm>> -> memref<16x512xf32, #tpu.memory_space<hbm>>
    %dma_start3A_68 = arith.constant 0 : i32
    %dma_start3A_69 = arith.constant 0 : i32
    %dma_start3A_70 = tpu.memref_slice %arg10[%dma_start3A_68, %dma_start3A_69] : memref<48x512xf32, #tpu.memory_space<vmem>> -> memref<16x512xf32, #tpu.memory_space<vmem>>
    %dma_start3A_71 = arith.constant 0 : i32
    %dma_start3A_72 = tpu.memref_slice %arg3[%add3A_52, %dma_start3A_71] : memref<24576x512xf32, #tpu.memory_space<hbm>> -> memref<16x512xf32, #tpu.memory_space<hbm>>
    tpu.enqueue_dma source(%dma_start3A_72 : memref<16x512xf32, #tpu.memory_space<hbm>>) target(%dma_start3A_70 : memref<16x512xf32, #tpu.memory_space<vmem>>) target_semaphore(%arg13 : memref<!tpu.dma_semaphore, #tpu.memory_space<semaphore_mem>>)
    %add3A_73 = arith.constant 15 : i32
    %add3A_74 = arith.addi %add3A_73, %select_n3A : i32
    %mul3A_75 = arith.constant 3 : i32
    %mul3A_76 = arith.muli %add3A_74, %mul3A_75 : i32
    %add3A_77 = arith.constant 1 : i32
    %add3A_78 = arith.addi %mul3A_76, %add3A_77 : i32
    %mul3A_79 = arith.constant 512 : i32
    %mul3A_80 = arith.muli %add3A_78, %mul3A_79 : i32
    %add3A_81 = arith.addi %mul3A_80, %mul3A_37 : i32
    %dma_start3A_82 = arith.constant 16 : i32
    %dma_start3A_83 = arith.constant 0 : i32
    %dma_start3A_84 = tpu.memref_slice %arg8[%dma_start3A_82, %dma_start3A_83] : memref<48x512xf32, #tpu.memory_space<vmem>> -> memref<16x512xf32, #tpu.memory_space<vmem>>
    %dma_start3A_85 = arith.constant 0 : i32
    %dma_start3A_86 = tpu.memref_slice %arg2[%add3A_81, %dma_start3A_85] : memref<24576x512xf32, #tpu.memory_space<hbm>> -> memref<16x512xf32, #tpu.memory_space<hbm>>
    %dma_start3A_87 = arith.constant 16 : i32
    %dma_start3A_88 = arith.constant 0 : i32
    %dma_start3A_89 = tpu.memref_slice %arg8[%dma_start3A_87, %dma_start3A_88] : memref<48x512xf32, #tpu.memory_space<vmem>> -> memref<16x512xf32, #tpu.memory_space<vmem>>
    %dma_start3A_90 = arith.constant 0 : i32
    %dma_start3A_91 = tpu.memref_slice %arg2[%add3A_81, %dma_start3A_90] : memref<24576x512xf32, #tpu.memory_space<hbm>> -> memref<16x512xf32, #tpu.memory_space<hbm>>
    tpu.enqueue_dma source(%dma_start3A_91 : memref<16x512xf32, #tpu.memory_space<hbm>>) target(%dma_start3A_89 : memref<16x512xf32, #tpu.memory_space<vmem>>) target_semaphore(%arg13 : memref<!tpu.dma_semaphore, #tpu.memory_space<semaphore_mem>>)
    %dma_start3A_92 = arith.constant 16 : i32
    %dma_start3A_93 = arith.constant 0 : i32
    %dma_start3A_94 = tpu.memref_slice %arg10[%dma_start3A_92, %dma_start3A_93] : memref<48x512xf32, #tpu.memory_space<vmem>> -> memref<16x512xf32, #tpu.memory_space<vmem>>
    %dma_start3A_95 = arith.constant 0 : i32
    %dma_start3A_96 = tpu.memref_slice %arg3[%add3A_81, %dma_start3A_95] : memref<24576x512xf32, #tpu.memory_space<hbm>> -> memref<16x512xf32, #tpu.memory_space<hbm>>
    %dma_start3A_97 = arith.constant 16 : i32
    %dma_start3A_98 = arith.constant 0 : i32
    %dma_start3A_99 = tpu.memref_slice %arg10[%dma_start3A_97, %dma_start3A_98] : memref<48x512xf32, #tpu.memory_space<vmem>> -> memref<16x512xf32, #tpu.memory_space<vmem>>
    %dma_start3A_100 = arith.constant 0 : i32
    %dma_start3A_101 = tpu.memref_slice %arg3[%add3A_81, %dma_start3A_100] : memref<24576x512xf32, #tpu.memory_space<hbm>> -> memref<16x512xf32, #tpu.memory_space<hbm>>
    tpu.enqueue_dma source(%dma_start3A_101 : memref<16x512xf32, #tpu.memory_space<hbm>>) target(%dma_start3A_99 : memref<16x512xf32, #tpu.memory_space<vmem>>) target_semaphore(%arg13 : memref<!tpu.dma_semaphore, #tpu.memory_space<semaphore_mem>>)
    %add3A_102 = arith.constant 15 : i32
    %add3A_103 = arith.addi %add3A_102, %select_n3A : i32
    %mul3A_104 = arith.constant 3 : i32
    %mul3A_105 = arith.muli %add3A_103, %mul3A_104 : i32
    %add3A_106 = arith.constant 2 : i32
    %add3A_107 = arith.addi %mul3A_105, %add3A_106 : i32
    %mul3A_108 = arith.constant 512 : i32
    %mul3A_109 = arith.muli %add3A_107, %mul3A_108 : i32
    %add3A_110 = arith.addi %mul3A_109, %mul3A_37 : i32
    %dma_start3A_111 = arith.constant 32 : i32
    %dma_start3A_112 = arith.constant 0 : i32
    %dma_start3A_113 = tpu.memref_slice %arg8[%dma_start3A_111, %dma_start3A_112] : memref<48x512xf32, #tpu.memory_space<vmem>> -> memref<16x512xf32, #tpu.memory_space<vmem>>
    %dma_start3A_114 = arith.constant 0 : i32
    %dma_start3A_115 = tpu.memref_slice %arg2[%add3A_110, %dma_start3A_114] : memref<24576x512xf32, #tpu.memory_space<hbm>> -> memref<16x512xf32, #tpu.memory_space<hbm>>
    %dma_start3A_116 = arith.constant 32 : i32
    %dma_start3A_117 = arith.constant 0 : i32
    %dma_start3A_118 = tpu.memref_slice %arg8[%dma_start3A_116, %dma_start3A_117] : memref<48x512xf32, #tpu.memory_space<vmem>> -> memref<16x512xf32, #tpu.memory_space<vmem>>
    %dma_start3A_119 = arith.constant 0 : i32
    %dma_start3A_120 = tpu.memref_slice %arg2[%add3A_110, %dma_start3A_119] : memref<24576x512xf32, #tpu.memory_space<hbm>> -> memref<16x512xf32, #tpu.memory_space<hbm>>
    tpu.enqueue_dma source(%dma_start3A_120 : memref<16x512xf32, #tpu.memory_space<hbm>>) target(%dma_start3A_118 : memref<16x512xf32, #tpu.memory_space<vmem>>) target_semaphore(%arg13 : memref<!tpu.dma_semaphore, #tpu.memory_space<semaphore_mem>>)
    %dma_start3A_121 = arith.constant 32 : i32
    %dma_start3A_122 = arith.constant 0 : i32
    %dma_start3A_123 = tpu.memref_slice %arg10[%dma_start3A_121, %dma_start3A_122] : memref<48x512xf32, #tpu.memory_space<vmem>> -> memref<16x512xf32, #tpu.memory_space<vmem>>
    %dma_start3A_124 = arith.constant 0 : i32
    %dma_start3A_125 = tpu.memref_slice %arg3[%add3A_110, %dma_start3A_124] : memref<24576x512xf32, #tpu.memory_space<hbm>> -> memref<16x512xf32, #tpu.memory_space<hbm>>
    %dma_start3A_126 = arith.constant 32 : i32
    %dma_start3A_127 = arith.constant 0 : i32
    %dma_start3A_128 = tpu.memref_slice %arg10[%dma_start3A_126, %dma_start3A_127] : memref<48x512xf32, #tpu.memory_space<vmem>> -> memref<16x512xf32, #tpu.memory_space<vmem>>
    %dma_start3A_129 = arith.constant 0 : i32
    %dma_start3A_130 = tpu.memref_slice %arg3[%add3A_110, %dma_start3A_129] : memref<24576x512xf32, #tpu.memory_space<hbm>> -> memref<16x512xf32, #tpu.memory_space<hbm>>
    tpu.enqueue_dma source(%dma_start3A_130 : memref<16x512xf32, #tpu.memory_space<hbm>>) target(%dma_start3A_128 : memref<16x512xf32, #tpu.memory_space<vmem>>) target_semaphore(%arg13 : memref<!tpu.dma_semaphore, #tpu.memory_space<semaphore_mem>>)
    %dma_wait3A = arith.constant 0 : i32
    %dma_wait3A_131 = tpu.memref_slice %arg4[%add3A_40, %dma_wait3A] : memref<512x512xf32, #tpu.memory_space<hbm>> -> memref<16x512xf32, #tpu.memory_space<hbm>>
    %dma_wait3A_132 = arith.constant 0 : i32
    %dma_wait3A_133 = tpu.memref_slice %arg4[%add3A_40, %dma_wait3A_132] : memref<512x512xf32, #tpu.memory_space<hbm>> -> memref<16x512xf32, #tpu.memory_space<hbm>>
    tpu.wait_dma2 semaphore(%arg13 : memref<!tpu.dma_semaphore, #tpu.memory_space<semaphore_mem>>) src(%dma_wait3A_133 : memref<16x512xf32, #tpu.memory_space<hbm>>) dst(%arg6 : memref<16x512xf32, #tpu.memory_space<vmem>>)
    %dma_wait3A_134 = arith.constant 0 : i32
    %dma_wait3A_135 = arith.constant 0 : i32
    %dma_wait3A_136 = tpu.memref_slice %arg8[%dma_wait3A_134, %dma_wait3A_135] : memref<48x512xf32, #tpu.memory_space<vmem>> -> memref<16x512xf32, #tpu.memory_space<vmem>>
    %dma_wait3A_137 = arith.constant 0 : i32
    %dma_wait3A_138 = tpu.memref_slice %arg2[%add3A_52, %dma_wait3A_137] : memref<24576x512xf32, #tpu.memory_space<hbm>> -> memref<16x512xf32, #tpu.memory_space<hbm>>
    %dma_wait3A_139 = arith.constant 0 : i32
    %dma_wait3A_140 = arith.constant 0 : i32
    %dma_wait3A_141 = tpu.memref_slice %arg8[%dma_wait3A_139, %dma_wait3A_140] : memref<48x512xf32, #tpu.memory_space<vmem>> -> memref<16x512xf32, #tpu.memory_space<vmem>>
    %dma_wait3A_142 = arith.constant 0 : i32
    %dma_wait3A_143 = tpu.memref_slice %arg2[%add3A_52, %dma_wait3A_142] : memref<24576x512xf32, #tpu.memory_space<hbm>> -> memref<16x512xf32, #tpu.memory_space<hbm>>
    tpu.wait_dma2 semaphore(%arg13 : memref<!tpu.dma_semaphore, #tpu.memory_space<semaphore_mem>>) src(%dma_wait3A_143 : memref<16x512xf32, #tpu.memory_space<hbm>>) dst(%dma_wait3A_141 : memref<16x512xf32, #tpu.memory_space<vmem>>)
    %dma_wait3A_144 = arith.constant 0 : i32
    %dma_wait3A_145 = arith.constant 0 : i32
    %dma_wait3A_146 = tpu.memref_slice %arg10[%dma_wait3A_144, %dma_wait3A_145] : memref<48x512xf32, #tpu.memory_space<vmem>> -> memref<16x512xf32, #tpu.memory_space<vmem>>
    %dma_wait3A_147 = arith.constant 0 : i32
    %dma_wait3A_148 = tpu.memref_slice %arg3[%add3A_52, %dma_wait3A_147] : memref<24576x512xf32, #tpu.memory_space<hbm>> -> memref<16x512xf32, #tpu.memory_space<hbm>>
    %dma_wait3A_149 = arith.constant 0 : i32
    %dma_wait3A_150 = arith.constant 0 : i32
    %dma_wait3A_151 = tpu.memref_slice %arg10[%dma_wait3A_149, %dma_wait3A_150] : memref<48x512xf32, #tpu.memory_space<vmem>> -> memref<16x512xf32, #tpu.memory_space<vmem>>
    %dma_wait3A_152 = arith.constant 0 : i32
    %dma_wait3A_153 = tpu.memref_slice %arg3[%add3A_52, %dma_wait3A_152] : memref<24576x512xf32, #tpu.memory_space<hbm>> -> memref<16x512xf32, #tpu.memory_space<hbm>>
    tpu.wait_dma2 semaphore(%arg13 : memref<!tpu.dma_semaphore, #tpu.memory_space<semaphore_mem>>) src(%dma_wait3A_153 : memref<16x512xf32, #tpu.memory_space<hbm>>) dst(%dma_wait3A_151 : memref<16x512xf32, #tpu.memory_space<vmem>>)
    %dma_wait3A_154 = arith.constant 16 : i32
    %dma_wait3A_155 = arith.constant 0 : i32
    %dma_wait3A_156 = tpu.memref_slice %arg8[%dma_wait3A_154, %dma_wait3A_155] : memref<48x512xf32, #tpu.memory_space<vmem>> -> memref<16x512xf32, #tpu.memory_space<vmem>>
    %dma_wait3A_157 = arith.constant 0 : i32
    %dma_wait3A_158 = tpu.memref_slice %arg2[%add3A_81, %dma_wait3A_157] : memref<24576x512xf32, #tpu.memory_space<hbm>> -> memref<16x512xf32, #tpu.memory_space<hbm>>
    %dma_wait3A_159 = arith.constant 16 : i32
    %dma_wait3A_160 = arith.constant 0 : i32
    %dma_wait3A_161 = tpu.memref_slice %arg8[%dma_wait3A_159, %dma_wait3A_160] : memref<48x512xf32, #tpu.memory_space<vmem>> -> memref<16x512xf32, #tpu.memory_space<vmem>>
    %dma_wait3A_162 = arith.constant 0 : i32
    %dma_wait3A_163 = tpu.memref_slice %arg2[%add3A_81, %dma_wait3A_162] : memref<24576x512xf32, #tpu.memory_space<hbm>> -> memref<16x512xf32, #tpu.memory_space<hbm>>
    tpu.wait_dma2 semaphore(%arg13 : memref<!tpu.dma_semaphore, #tpu.memory_space<semaphore_mem>>) src(%dma_wait3A_163 : memref<16x512xf32, #tpu.memory_space<hbm>>) dst(%dma_wait3A_161 : memref<16x512xf32, #tpu.memory_space<vmem>>)
    %dma_wait3A_164 = arith.constant 16 : i32
    %dma_wait3A_165 = arith.constant 0 : i32
    %dma_wait3A_166 = tpu.memref_slice %arg10[%dma_wait3A_164, %dma_wait3A_165] : memref<48x512xf32, #tpu.memory_space<vmem>> -> memref<16x512xf32, #tpu.memory_space<vmem>>
    %dma_wait3A_167 = arith.constant 0 : i32
    %dma_wait3A_168 = tpu.memref_slice %arg3[%add3A_81, %dma_wait3A_167] : memref<24576x512xf32, #tpu.memory_space<hbm>> -> memref<16x512xf32, #tpu.memory_space<hbm>>
    %dma_wait3A_169 = arith.constant 16 : i32
    %dma_wait3A_170 = arith.constant 0 : i32
    %dma_wait3A_171 = tpu.memref_slice %arg10[%dma_wait3A_169, %dma_wait3A_170] : memref<48x512xf32, #tpu.memory_space<vmem>> -> memref<16x512xf32, #tpu.memory_space<vmem>>
    %dma_wait3A_172 = arith.constant 0 : i32
    %dma_wait3A_173 = tpu.memref_slice %arg3[%add3A_81, %dma_wait3A_172] : memref<24576x512xf32, #tpu.memory_space<hbm>> -> memref<16x512xf32, #tpu.memory_space<hbm>>
    tpu.wait_dma2 semaphore(%arg13 : memref<!tpu.dma_semaphore, #tpu.memory_space<semaphore_mem>>) src(%dma_wait3A_173 : memref<16x512xf32, #tpu.memory_space<hbm>>) dst(%dma_wait3A_171 : memref<16x512xf32, #tpu.memory_space<vmem>>)
    %dma_wait3A_174 = arith.constant 32 : i32
    %dma_wait3A_175 = arith.constant 0 : i32
    %dma_wait3A_176 = tpu.memref_slice %arg8[%dma_wait3A_174, %dma_wait3A_175] : memref<48x512xf32, #tpu.memory_space<vmem>> -> memref<16x512xf32, #tpu.memory_space<vmem>>
    %dma_wait3A_177 = arith.constant 0 : i32
    %dma_wait3A_178 = tpu.memref_slice %arg2[%add3A_110, %dma_wait3A_177] : memref<24576x512xf32, #tpu.memory_space<hbm>> -> memref<16x512xf32, #tpu.memory_space<hbm>>
    %dma_wait3A_179 = arith.constant 32 : i32
    %dma_wait3A_180 = arith.constant 0 : i32
    %dma_wait3A_181 = tpu.memref_slice %arg8[%dma_wait3A_179, %dma_wait3A_180] : memref<48x512xf32, #tpu.memory_space<vmem>> -> memref<16x512xf32, #tpu.memory_space<vmem>>
    %dma_wait3A_182 = arith.constant 0 : i32
    %dma_wait3A_183 = tpu.memref_slice %arg2[%add3A_110, %dma_wait3A_182] : memref<24576x512xf32, #tpu.memory_space<hbm>> -> memref<16x512xf32, #tpu.memory_space<hbm>>
    tpu.wait_dma2 semaphore(%arg13 : memref<!tpu.dma_semaphore, #tpu.memory_space<semaphore_mem>>) src(%dma_wait3A_183 : memref<16x512xf32, #tpu.memory_space<hbm>>) dst(%dma_wait3A_181 : memref<16x512xf32, #tpu.memory_space<vmem>>)
    %dma_wait3A_184 = arith.constant 32 : i32
    %dma_wait3A_185 = arith.constant 0 : i32
    %dma_wait3A_186 = tpu.memref_slice %arg10[%dma_wait3A_184, %dma_wait3A_185] : memref<48x512xf32, #tpu.memory_space<vmem>> -> memref<16x512xf32, #tpu.memory_space<vmem>>
    %dma_wait3A_187 = arith.constant 0 : i32
    %dma_wait3A_188 = tpu.memref_slice %arg3[%add3A_110, %dma_wait3A_187] : memref<24576x512xf32, #tpu.memory_space<hbm>> -> memref<16x512xf32, #tpu.memory_space<hbm>>
    %dma_wait3A_189 = arith.constant 32 : i32
    %dma_wait3A_190 = arith.constant 0 : i32
    %dma_wait3A_191 = tpu.memref_slice %arg10[%dma_wait3A_189, %dma_wait3A_190] : memref<48x512xf32, #tpu.memory_space<vmem>> -> memref<16x512xf32, #tpu.memory_space<vmem>>
    %dma_wait3A_192 = arith.constant 0 : i32
    %dma_wait3A_193 = tpu.memref_slice %arg3[%add3A_110, %dma_wait3A_192] : memref<24576x512xf32, #tpu.memory_space<hbm>> -> memref<16x512xf32, #tpu.memory_space<hbm>>
    tpu.wait_dma2 semaphore(%arg13 : memref<!tpu.dma_semaphore, #tpu.memory_space<semaphore_mem>>) src(%dma_wait3A_193 : memref<16x512xf32, #tpu.memory_space<hbm>>) dst(%dma_wait3A_191 : memref<16x512xf32, #tpu.memory_space<vmem>>)
    %scan3A = arith.constant 0 : i32
    %scan3A_194 = arith.constant 64 : i32
    %scan3A_195 = arith.addi %scan3A, %scan3A_194 : i32
    %scan3A_196 = arith.constant 1 : i32
    %scan3A_197:4 = scf.for %scan3A_214 = %scan3A to %scan3A_195 step %scan3A_196 iter_args(%scan3A_215 = %broadcast_in_dim3A_1, %scan3A_216 = %broadcast_in_dim3A_1, %scan3A_217 = %broadcast_in_dim3A_1, %scan3A_218 = %broadcast_in_dim3A_1) -> (vector<16xf32>, vector<16xf32>, vector<16xf32>, vector<16xf32>)  : i32 {
      %jit3A_219 = arith.constant 4 : i32
      %div3A_220 = arith.divsi %scan3A_214, %jit3A_219 : i32
      %sign3A_221 = arith.constant 0 : i32
      %sign3A_222 = arith.cmpi sgt, %scan3A_214, %sign3A_221 : i32
      %sign3A_223 = arith.extui %sign3A_222 : i1 to i32
      %sign3A_224 = arith.constant 0 : i32
      %sign3A_225 = arith.cmpi slt, %scan3A_214, %sign3A_224 : i32
      %sign3A_226 = arith.extui %sign3A_225 : i1 to i32
      %sign3A_227 = arith.subi %sign3A_223, %sign3A_226 : i32
      %sign3A_228 = arith.constant 0 : i32
      %sign3A_229 = arith.cmpi sgt, %jit3A_219, %sign3A_228 : i32
      %sign3A_230 = arith.extui %sign3A_229 : i1 to i32
      %sign3A_231 = arith.constant 0 : i32
      %sign3A_232 = arith.cmpi slt, %jit3A_219, %sign3A_231 : i32
      %sign3A_233 = arith.extui %sign3A_232 : i1 to i32
      %sign3A_234 = arith.subi %sign3A_230, %sign3A_233 : i32
      %ne3A_235 = arith.cmpi ne, %sign3A_227, %sign3A_234 : i32
      %rem3A_236 = arith.remsi %scan3A_214, %jit3A_219 : i32
      %ne3A_237 = arith.constant 0 : i32
      %ne3A_238 = arith.cmpi ne, %rem3A_236, %ne3A_237 : i32
      %and3A_239 = arith.andi %ne3A_235, %ne3A_238 : i1
      %sub3A_240 = arith.constant 1 : i32
      %sub3A_241 = arith.subi %div3A_220, %sub3A_240 : i32
      %select_n3A_242 = arith.select %and3A_239, %sub3A_241, %div3A_220 : i32
      %jit3A_243 = arith.constant 4 : i32
      %eq3A_244 = arith.constant 0 : i32
      %eq3A_245 = arith.cmpi eq, %jit3A_243, %eq3A_244 : i32
      %jit3A_246 = arith.constant 1 : i32
      %select_n3A_247 = arith.select %eq3A_245, %jit3A_246, %jit3A_243 : i32
      %rem3A_248 = arith.remsi %scan3A_214, %select_n3A_247 : i32
      %ne3A_249 = arith.constant 0 : i32
      %ne3A_250 = arith.cmpi ne, %rem3A_248, %ne3A_249 : i32
      %lt3A_251 = arith.constant 0 : i32
      %lt3A_252 = arith.cmpi slt, %rem3A_248, %lt3A_251 : i32
      %lt3A_253 = arith.constant 0 : i32
      %lt3A_254 = arith.cmpi slt, %select_n3A_247, %lt3A_253 : i32
      %ne3A_255 = arith.xori %lt3A_252, %lt3A_254 : i1
      %and3A_256 = arith.andi %ne3A_255, %ne3A_250 : i1
      %add3A_257 = arith.addi %rem3A_248, %select_n3A_247 : i32
      %select_n3A_258 = arith.select %and3A_256, %add3A_257, %rem3A_248 : i32
      %mul3A_259 = arith.constant 128 : i32
      %mul3A_260 = arith.muli %select_n3A_258, %mul3A_259 : i32
      %add3A_261 = arith.constant 0 : i32
      %add3A_262 = arith.addi %mul3A_260, %add3A_261 : i32
      %get3A = arith.index_cast %select_n3A_242 : i32 to index
      %get3A_263 = arith.index_cast %add3A_262 : i32 to index
      %get3A_264 = tpu.vector_load %arg6[%get3A, %get3A_263] {strides = array<i32>} : memref<16x512xf32, #tpu.memory_space<vmem>>, vector<1x16xf32>,
      %get3A_265 = vector.shape_cast %get3A_264 : vector<1x16xf32> to vector<16xf32>
      %sub3A_266 = arith.constant 1.000000e+00 : f32
      %sub3A_267 = vector.broadcast %sub3A_266 : f32 to vector<16xf32>
      %sub3A_268 = arith.subf %sub3A_267, %get3A_265 : vector<16xf32>
      %get3A_269 = arith.index_cast %select_n3A_242 : i32 to index
      %get3A_270 = arith.index_cast %add3A_262 : i32 to index
      %get3A_271 = tpu.vector_load %arg10[%get3A_269, %get3A_270] {strides = array<i32>} : memref<48x512xf32, #tpu.memory_space<vmem>>, vector<1x16xf32>,
      %get3A_272 = vector.shape_cast %get3A_271 : vector<1x16xf32> to vector<16xf32>
      %get3A_273 = arith.index_cast %select_n3A_242 : i32 to index
      %get3A_274 = arith.index_cast %add3A_262 : i32 to index
      %get3A_275 = tpu.vector_load %arg8[%get3A_273, %get3A_274] {strides = array<i32>} : memref<48x512xf32, #tpu.memory_space<vmem>>, vector<1x16xf32>,
      %get3A_276 = vector.shape_cast %get3A_275 : vector<1x16xf32> to vector<16xf32>
      %sub3A_277 = arith.subf %get3A_272, %get3A_276 : vector<16xf32>
      %add3A_278 = arith.constant 16 : i32
      %add3A_279 = arith.addi %add3A_278, %select_n3A_242 : i32
      %get3A_280 = arith.index_cast %add3A_279 : i32 to index
      %get3A_281 = arith.index_cast %add3A_262 : i32 to index
      %get3A_282 = tpu.vector_load %arg10[%get3A_280, %get3A_281] {strides = array<i32>} : memref<48x512xf32, #tpu.memory_space<vmem>>, vector<1x16xf32>,
      %get3A_283 = vector.shape_cast %get3A_282 : vector<1x16xf32> to vector<16xf32>
      %add3A_284 = arith.constant 16 : i32
      %add3A_285 = arith.addi %add3A_284, %select_n3A_242 : i32
      %get3A_286 = arith.index_cast %add3A_285 : i32 to index
      %get3A_287 = arith.index_cast %add3A_262 : i32 to index
      %get3A_288 = tpu.vector_load %arg8[%get3A_286, %get3A_287] {strides = array<i32>} : memref<48x512xf32, #tpu.memory_space<vmem>>, vector<1x16xf32>,
      %get3A_289 = vector.shape_cast %get3A_288 : vector<1x16xf32> to vector<16xf32>
      %sub3A_290 = arith.subf %get3A_283, %get3A_289 : vector<16xf32>
      %add3A_291 = arith.constant 32 : i32
      %add3A_292 = arith.addi %add3A_291, %select_n3A_242 : i32
      %get3A_293 = arith.index_cast %add3A_292 : i32 to index
      %get3A_294 = arith.index_cast %add3A_262 : i32 to index
      %get3A_295 = tpu.vector_load %arg10[%get3A_293, %get3A_294] {strides = array<i32>} : memref<48x512xf32, #tpu.memory_space<vmem>>, vector<1x16xf32>,
      %get3A_296 = vector.shape_cast %get3A_295 : vector<1x16xf32> to vector<16xf32>
      %add3A_297 = arith.constant 32 : i32
      %add3A_298 = arith.addi %add3A_297, %select_n3A_242 : i32
      %get3A_299 = arith.index_cast %add3A_298 : i32 to index
      %get3A_300 = arith.index_cast %add3A_262 : i32 to index
      %get3A_301 = tpu.vector_load %arg8[%get3A_299, %get3A_300] {strides = array<i32>} : memref<48x512xf32, #tpu.memory_space<vmem>>, vector<1x16xf32>,
      %get3A_302 = vector.shape_cast %get3A_301 : vector<1x16xf32> to vector<16xf32>
      %sub3A_303 = arith.subf %get3A_296, %get3A_302 : vector<16xf32>
      %mul3A_304 = arith.mulf %sub3A_277, %sub3A_277 : vector<16xf32>
      %mul3A_305 = arith.mulf %sub3A_290, %sub3A_290 : vector<16xf32>
      %add3A_306 = arith.addf %mul3A_304, %mul3A_305 : vector<16xf32>
      %mul3A_307 = arith.mulf %sub3A_303, %sub3A_303 : vector<16xf32>
      %add3A_308 = arith.addf %add3A_306, %mul3A_307 : vector<16xf32>
      %mul3A_309 = arith.mulf %add3A_308, %sub3A_268 : vector<16xf32>
      %add3A_310 = arith.addf %scan3A_215, %mul3A_309 : vector<16xf32>
      %add3A_311 = arith.addf %scan3A_217, %sub3A_268 : vector<16xf32>
      %jit3A_312 = arith.constant 4 : i32
      %eq3A_313 = arith.constant 0 : i32
      %eq3A_314 = arith.cmpi eq, %jit3A_312, %eq3A_313 : i32
      %jit3A_315 = arith.constant 1 : i32
      %select_n3A_316 = arith.select %eq3A_314, %jit3A_315, %jit3A_312 : i32
      %rem3A_317 = arith.remsi %scan3A_214, %select_n3A_316 : i32
      %ne3A_318 = arith.constant 0 : i32
      %ne3A_319 = arith.cmpi ne, %rem3A_317, %ne3A_318 : i32
      %lt3A_320 = arith.constant 0 : i32
      %lt3A_321 = arith.cmpi slt, %rem3A_317, %lt3A_320 : i32
      %lt3A_322 = arith.constant 0 : i32
      %lt3A_323 = arith.cmpi slt, %select_n3A_316, %lt3A_322 : i32
      %ne3A_324 = arith.xori %lt3A_321, %lt3A_323 : i1
      %and3A_325 = arith.andi %ne3A_324, %ne3A_319 : i1
      %add3A_326 = arith.addi %rem3A_317, %select_n3A_316 : i32
      %select_n3A_327 = arith.select %and3A_325, %add3A_326, %rem3A_317 : i32
      %mul3A_328 = arith.constant 128 : i32
      %mul3A_329 = arith.muli %select_n3A_327, %mul3A_328 : i32
      %add3A_330 = arith.constant 16 : i32
      %add3A_331 = arith.addi %mul3A_329, %add3A_330 : i32
      %get3A_332 = arith.index_cast %select_n3A_242 : i32 to index
      %get3A_333 = arith.index_cast %add3A_331 : i32 to index
      %get3A_334 = tpu.vector_load %arg6[%get3A_332, %get3A_333] {strides = array<i32>} : memref<16x512xf32, #tpu.memory_space<vmem>>, vector<1x16xf32>,
      %get3A_335 = vector.shape_cast %get3A_334 : vector<1x16xf32> to vector<16xf32>
      %sub3A_336 = arith.constant 1.000000e+00 : f32
      %sub3A_337 = vector.broadcast %sub3A_336 : f32 to vector<16xf32>
      %sub3A_338 = arith.subf %sub3A_337, %get3A_335 : vector<16xf32>
      %get3A_339 = arith.index_cast %select_n3A_242 : i32 to index
      %get3A_340 = arith.index_cast %add3A_331 : i32 to index
      %get3A_341 = tpu.vector_load %arg10[%get3A_339, %get3A_340] {strides = array<i32>} : memref<48x512xf32, #tpu.memory_space<vmem>>, vector<1x16xf32>,
      %get3A_342 = vector.shape_cast %get3A_341 : vector<1x16xf32> to vector<16xf32>
      %get3A_343 = arith.index_cast %select_n3A_242 : i32 to index
      %get3A_344 = arith.index_cast %add3A_331 : i32 to index
      %get3A_345 = tpu.vector_load %arg8[%get3A_343, %get3A_344] {strides = array<i32>} : memref<48x512xf32, #tpu.memory_space<vmem>>, vector<1x16xf32>,
      %get3A_346 = vector.shape_cast %get3A_345 : vector<1x16xf32> to vector<16xf32>
      %sub3A_347 = arith.subf %get3A_342, %get3A_346 : vector<16xf32>
      %add3A_348 = arith.constant 16 : i32
      %add3A_349 = arith.addi %add3A_348, %select_n3A_242 : i32
      %get3A_350 = arith.index_cast %add3A_349 : i32 to index
      %get3A_351 = arith.index_cast %add3A_331 : i32 to index
      %get3A_352 = tpu.vector_load %arg10[%get3A_350, %get3A_351] {strides = array<i32>} : memref<48x512xf32, #tpu.memory_space<vmem>>, vector<1x16xf32>,
      %get3A_353 = vector.shape_cast %get3A_352 : vector<1x16xf32> to vector<16xf32>
      %add3A_354 = arith.constant 16 : i32
      %add3A_355 = arith.addi %add3A_354, %select_n3A_242 : i32
      %get3A_356 = arith.index_cast %add3A_355 : i32 to index
      %get3A_357 = arith.index_cast %add3A_331 : i32 to index
      %get3A_358 = tpu.vector_load %arg8[%get3A_356, %get3A_357] {strides = array<i32>} : memref<48x512xf32, #tpu.memory_space<vmem>>, vector<1x16xf32>,
      %get3A_359 = vector.shape_cast %get3A_358 : vector<1x16xf32> to vector<16xf32>
      %sub3A_360 = arith.subf %get3A_353, %get3A_359 : vector<16xf32>
      %add3A_361 = arith.constant 32 : i32
      %add3A_362 = arith.addi %add3A_361, %select_n3A_242 : i32
      %get3A_363 = arith.index_cast %add3A_362 : i32 to index
      %get3A_364 = arith.index_cast %add3A_331 : i32 to index
      %get3A_365 = tpu.vector_load %arg10[%get3A_363, %get3A_364] {strides = array<i32>} : memref<48x512xf32, #tpu.memory_space<vmem>>, vector<1x16xf32>,
      %get3A_366 = vector.shape_cast %get3A_365 : vector<1x16xf32> to vector<16xf32>
      %add3A_367 = arith.constant 32 : i32
      %add3A_368 = arith.addi %add3A_367, %select_n3A_242 : i32
      %get3A_369 = arith.index_cast %add3A_368 : i32 to index
      %get3A_370 = arith.index_cast %add3A_331 : i32 to index
      %get3A_371 = tpu.vector_load %arg8[%get3A_369, %get3A_370] {strides = array<i32>} : memref<48x512xf32, #tpu.memory_space<vmem>>, vector<1x16xf32>,
      %get3A_372 = vector.shape_cast %get3A_371 : vector<1x16xf32> to vector<16xf32>
      %sub3A_373 = arith.subf %get3A_366, %get3A_372 : vector<16xf32>
      %mul3A_374 = arith.mulf %sub3A_347, %sub3A_347 : vector<16xf32>
      %mul3A_375 = arith.mulf %sub3A_360, %sub3A_360 : vector<16xf32>
      %add3A_376 = arith.addf %mul3A_374, %mul3A_375 : vector<16xf32>
      %mul3A_377 = arith.mulf %sub3A_373, %sub3A_373 : vector<16xf32>
      %add3A_378 = arith.addf %add3A_376, %mul3A_377 : vector<16xf32>
      %mul3A_379 = arith.mulf %add3A_378, %sub3A_338 : vector<16xf32>
      %add3A_380 = arith.addf %scan3A_216, %mul3A_379 : vector<16xf32>
      %add3A_381 = arith.addf %scan3A_218, %sub3A_338 : vector<16xf32>
      %jit3A_382 = arith.constant 4 : i32
      %eq3A_383 = arith.constant 0 : i32
      %eq3A_384 = arith.cmpi eq, %jit3A_382, %eq3A_383 : i32
      %jit3A_385 = arith.constant 1 : i32
      %select_n3A_386 = arith.select %eq3A_384, %jit3A_385, %jit3A_382 : i32
      %rem3A_387 = arith.remsi %scan3A_214, %select_n3A_386 : i32
      %ne3A_388 = arith.constant 0 : i32
      %ne3A_389 = arith.cmpi ne, %rem3A_387, %ne3A_388 : i32
      %lt3A_390 = arith.constant 0 : i32
      %lt3A_391 = arith.cmpi slt, %rem3A_387, %lt3A_390 : i32
      %lt3A_392 = arith.constant 0 : i32
      %lt3A_393 = arith.cmpi slt, %select_n3A_386, %lt3A_392 : i32
      %ne3A_394 = arith.xori %lt3A_391, %lt3A_393 : i1
      %and3A_395 = arith.andi %ne3A_394, %ne3A_389 : i1
      %add3A_396 = arith.addi %rem3A_387, %select_n3A_386 : i32
      %select_n3A_397 = arith.select %and3A_395, %add3A_396, %rem3A_387 : i32
      %mul3A_398 = arith.constant 128 : i32
      %mul3A_399 = arith.muli %select_n3A_397, %mul3A_398 : i32
      %add3A_400 = arith.constant 32 : i32
      %add3A_401 = arith.addi %mul3A_399, %add3A_400 : i32
      %get3A_402 = arith.index_cast %select_n3A_242 : i32 to index
      %get3A_403 = arith.index_cast %add3A_401 : i32 to index
      %get3A_404 = tpu.vector_load %arg6[%get3A_402, %get3A_403] {strides = array<i32>} : memref<16x512xf32, #tpu.memory_space<vmem>>, vector<1x16xf32>,
      %get3A_405 = vector.shape_cast %get3A_404 : vector<1x16xf32> to vector<16xf32>
      %sub3A_406 = arith.constant 1.000000e+00 : f32
      %sub3A_407 = vector.broadcast %sub3A_406 : f32 to vector<16xf32>
      %sub3A_408 = arith.subf %sub3A_407, %get3A_405 : vector<16xf32>
      %get3A_409 = arith.index_cast %select_n3A_242 : i32 to index
      %get3A_410 = arith.index_cast %add3A_401 : i32 to index
      %get3A_411 = tpu.vector_load %arg10[%get3A_409, %get3A_410] {strides = array<i32>} : memref<48x512xf32, #tpu.memory_space<vmem>>, vector<1x16xf32>,
      %get3A_412 = vector.shape_cast %get3A_411 : vector<1x16xf32> to vector<16xf32>
      %get3A_413 = arith.index_cast %select_n3A_242 : i32 to index
      %get3A_414 = arith.index_cast %add3A_401 : i32 to index
      %get3A_415 = tpu.vector_load %arg8[%get3A_413, %get3A_414] {strides = array<i32>} : memref<48x512xf32, #tpu.memory_space<vmem>>, vector<1x16xf32>,
      %get3A_416 = vector.shape_cast %get3A_415 : vector<1x16xf32> to vector<16xf32>
      %sub3A_417 = arith.subf %get3A_412, %get3A_416 : vector<16xf32>
      %add3A_418 = arith.constant 16 : i32
      %add3A_419 = arith.addi %add3A_418, %select_n3A_242 : i32
      %get3A_420 = arith.index_cast %add3A_419 : i32 to index
      %get3A_421 = arith.index_cast %add3A_401 : i32 to index
      %get3A_422 = tpu.vector_load %arg10[%get3A_420, %get3A_421] {strides = array<i32>} : memref<48x512xf32, #tpu.memory_space<vmem>>, vector<1x16xf32>,
      %get3A_423 = vector.shape_cast %get3A_422 : vector<1x16xf32> to vector<16xf32>
      %add3A_424 = arith.constant 16 : i32
      %add3A_425 = arith.addi %add3A_424, %select_n3A_242 : i32
      %get3A_426 = arith.index_cast %add3A_425 : i32 to index
      %get3A_427 = arith.index_cast %add3A_401 : i32 to index
      %get3A_428 = tpu.vector_load %arg8[%get3A_426, %get3A_427] {strides = array<i32>} : memref<48x512xf32, #tpu.memory_space<vmem>>, vector<1x16xf32>,
      %get3A_429 = vector.shape_cast %get3A_428 : vector<1x16xf32> to vector<16xf32>
      %sub3A_430 = arith.subf %get3A_423, %get3A_429 : vector<16xf32>
      %add3A_431 = arith.constant 32 : i32
      %add3A_432 = arith.addi %add3A_431, %select_n3A_242 : i32
      %get3A_433 = arith.index_cast %add3A_432 : i32 to index
      %get3A_434 = arith.index_cast %add3A_401 : i32 to index
      %get3A_435 = tpu.vector_load %arg10[%get3A_433, %get3A_434] {strides = array<i32>} : memref<48x512xf32, #tpu.memory_space<vmem>>, vector<1x16xf32>,
      %get3A_436 = vector.shape_cast %get3A_435 : vector<1x16xf32> to vector<16xf32>
      %add3A_437 = arith.constant 32 : i32
      %add3A_438 = arith.addi %add3A_437, %select_n3A_242 : i32
      %get3A_439 = arith.index_cast %add3A_438 : i32 to index
      %get3A_440 = arith.index_cast %add3A_401 : i32 to index
      %get3A_441 = tpu.vector_load %arg8[%get3A_439, %get3A_440] {strides = array<i32>} : memref<48x512xf32, #tpu.memory_space<vmem>>, vector<1x16xf32>,
      %get3A_442 = vector.shape_cast %get3A_441 : vector<1x16xf32> to vector<16xf32>
      %sub3A_443 = arith.subf %get3A_436, %get3A_442 : vector<16xf32>
      %mul3A_444 = arith.mulf %sub3A_417, %sub3A_417 : vector<16xf32>
      %mul3A_445 = arith.mulf %sub3A_430, %sub3A_430 : vector<16xf32>
      %add3A_446 = arith.addf %mul3A_444, %mul3A_445 : vector<16xf32>
      %mul3A_447 = arith.mulf %sub3A_443, %sub3A_443 : vector<16xf32>
      %add3A_448 = arith.addf %add3A_446, %mul3A_447 : vector<16xf32>
      %mul3A_449 = arith.mulf %add3A_448, %sub3A_408 : vector<16xf32>
      %add3A_450 = arith.addf %add3A_310, %mul3A_449 : vector<16xf32>
      %add3A_451 = arith.addf %add3A_311, %sub3A_408 : vector<16xf32>
      %jit3A_452 = arith.constant 4 : i32
      %eq3A_453 = arith.constant 0 : i32
      %eq3A_454 = arith.cmpi eq, %jit3A_452, %eq3A_453 : i32
      %jit3A_455 = arith.constant 1 : i32
      %select_n3A_456 = arith.select %eq3A_454, %jit3A_455, %jit3A_452 : i32
      %rem3A_457 = arith.remsi %scan3A_214, %select_n3A_456 : i32
      %ne3A_458 = arith.constant 0 : i32
      %ne3A_459 = arith.cmpi ne, %rem3A_457, %ne3A_458 : i32
      %lt3A_460 = arith.constant 0 : i32
      %lt3A_461 = arith.cmpi slt, %rem3A_457, %lt3A_460 : i32
      %lt3A_462 = arith.constant 0 : i32
      %lt3A_463 = arith.cmpi slt, %select_n3A_456, %lt3A_462 : i32
      %ne3A_464 = arith.xori %lt3A_461, %lt3A_463 : i1
      %and3A_465 = arith.andi %ne3A_464, %ne3A_459 : i1
      %add3A_466 = arith.addi %rem3A_457, %select_n3A_456 : i32
      %select_n3A_467 = arith.select %and3A_465, %add3A_466, %rem3A_457 : i32
      %mul3A_468 = arith.constant 128 : i32
      %mul3A_469 = arith.muli %select_n3A_467, %mul3A_468 : i32
      %add3A_470 = arith.constant 48 : i32
      %add3A_471 = arith.addi %mul3A_469, %add3A_470 : i32
      %get3A_472 = arith.index_cast %select_n3A_242 : i32 to index
      %get3A_473 = arith.index_cast %add3A_471 : i32 to index
      %get3A_474 = tpu.vector_load %arg6[%get3A_472, %get3A_473] {strides = array<i32>} : memref<16x512xf32, #tpu.memory_space<vmem>>, vector<1x16xf32>,
      %get3A_475 = vector.shape_cast %get3A_474 : vector<1x16xf32> to vector<16xf32>
      %sub3A_476 = arith.constant 1.000000e+00 : f32
      %sub3A_477 = vector.broadcast %sub3A_476 : f32 to vector<16xf32>
      %sub3A_478 = arith.subf %sub3A_477, %get3A_475 : vector<16xf32>
      %get3A_479 = arith.index_cast %select_n3A_242 : i32 to index
      %get3A_480 = arith.index_cast %add3A_471 : i32 to index
      %get3A_481 = tpu.vector_load %arg10[%get3A_479, %get3A_480] {strides = array<i32>} : memref<48x512xf32, #tpu.memory_space<vmem>>, vector<1x16xf32>,
      %get3A_482 = vector.shape_cast %get3A_481 : vector<1x16xf32> to vector<16xf32>
      %get3A_483 = arith.index_cast %select_n3A_242 : i32 to index
      %get3A_484 = arith.index_cast %add3A_471 : i32 to index
      %get3A_485 = tpu.vector_load %arg8[%get3A_483, %get3A_484] {strides = array<i32>} : memref<48x512xf32, #tpu.memory_space<vmem>>, vector<1x16xf32>,
      %get3A_486 = vector.shape_cast %get3A_485 : vector<1x16xf32> to vector<16xf32>
      %sub3A_487 = arith.subf %get3A_482, %get3A_486 : vector<16xf32>
      %add3A_488 = arith.constant 16 : i32
      %add3A_489 = arith.addi %add3A_488, %select_n3A_242 : i32
      %get3A_490 = arith.index_cast %add3A_489 : i32 to index
      %get3A_491 = arith.index_cast %add3A_471 : i32 to index
      %get3A_492 = tpu.vector_load %arg10[%get3A_490, %get3A_491] {strides = array<i32>} : memref<48x512xf32, #tpu.memory_space<vmem>>, vector<1x16xf32>,
      %get3A_493 = vector.shape_cast %get3A_492 : vector<1x16xf32> to vector<16xf32>
      %add3A_494 = arith.constant 16 : i32
      %add3A_495 = arith.addi %add3A_494, %select_n3A_242 : i32
      %get3A_496 = arith.index_cast %add3A_495 : i32 to index
      %get3A_497 = arith.index_cast %add3A_471 : i32 to index
      %get3A_498 = tpu.vector_load %arg8[%get3A_496, %get3A_497] {strides = array<i32>} : memref<48x512xf32, #tpu.memory_space<vmem>>, vector<1x16xf32>,
      %get3A_499 = vector.shape_cast %get3A_498 : vector<1x16xf32> to vector<16xf32>
      %sub3A_500 = arith.subf %get3A_493, %get3A_499 : vector<16xf32>
      %add3A_501 = arith.constant 32 : i32
      %add3A_502 = arith.addi %add3A_501, %select_n3A_242 : i32
      %get3A_503 = arith.index_cast %add3A_502 : i32 to index
      %get3A_504 = arith.index_cast %add3A_471 : i32 to index
      %get3A_505 = tpu.vector_load %arg10[%get3A_503, %get3A_504] {strides = array<i32>} : memref<48x512xf32, #tpu.memory_space<vmem>>, vector<1x16xf32>,
      %get3A_506 = vector.shape_cast %get3A_505 : vector<1x16xf32> to vector<16xf32>
      %add3A_507 = arith.constant 32 : i32
      %add3A_508 = arith.addi %add3A_507, %select_n3A_242 : i32
      %get3A_509 = arith.index_cast %add3A_508 : i32 to index
      %get3A_510 = arith.index_cast %add3A_471 : i32 to index
      %get3A_511 = tpu.vector_load %arg8[%get3A_509, %get3A_510] {strides = array<i32>} : memref<48x512xf32, #tpu.memory_space<vmem>>, vector<1x16xf32>,
      %get3A_512 = vector.shape_cast %get3A_511 : vector<1x16xf32> to vector<16xf32>
      %sub3A_513 = arith.subf %get3A_506, %get3A_512 : vector<16xf32>
      %mul3A_514 = arith.mulf %sub3A_487, %sub3A_487 : vector<16xf32>
      %mul3A_515 = arith.mulf %sub3A_500, %sub3A_500 : vector<16xf32>
      %add3A_516 = arith.addf %mul3A_514, %mul3A_515 : vector<16xf32>
      %mul3A_517 = arith.mulf %sub3A_513, %sub3A_513 : vector<16xf32>
      %add3A_518 = arith.addf %add3A_516, %mul3A_517 : vector<16xf32>
      %mul3A_519 = arith.mulf %add3A_518, %sub3A_478 : vector<16xf32>
      %add3A_520 = arith.addf %add3A_380, %mul3A_519 : vector<16xf32>
      %add3A_521 = arith.addf %add3A_381, %sub3A_478 : vector<16xf32>
      %jit3A_522 = arith.constant 4 : i32
      %eq3A_523 = arith.constant 0 : i32
      %eq3A_524 = arith.cmpi eq, %jit3A_522, %eq3A_523 : i32
      %jit3A_525 = arith.constant 1 : i32
      %select_n3A_526 = arith.select %eq3A_524, %jit3A_525, %jit3A_522 : i32
      %rem3A_527 = arith.remsi %scan3A_214, %select_n3A_526 : i32
      %ne3A_528 = arith.constant 0 : i32
      %ne3A_529 = arith.cmpi ne, %rem3A_527, %ne3A_528 : i32
      %lt3A_530 = arith.constant 0 : i32
      %lt3A_531 = arith.cmpi slt, %rem3A_527, %lt3A_530 : i32
      %lt3A_532 = arith.constant 0 : i32
      %lt3A_533 = arith.cmpi slt, %select_n3A_526, %lt3A_532 : i32
      %ne3A_534 = arith.xori %lt3A_531, %lt3A_533 : i1
      %and3A_535 = arith.andi %ne3A_534, %ne3A_529 : i1
      %add3A_536 = arith.addi %rem3A_527, %select_n3A_526 : i32
      %select_n3A_537 = arith.select %and3A_535, %add3A_536, %rem3A_527 : i32
      %mul3A_538 = arith.constant 128 : i32
      %mul3A_539 = arith.muli %select_n3A_537, %mul3A_538 : i32
      %add3A_540 = arith.constant 64 : i32
      %add3A_541 = arith.addi %mul3A_539, %add3A_540 : i32
      %get3A_542 = arith.index_cast %select_n3A_242 : i32 to index
      %get3A_543 = arith.index_cast %add3A_541 : i32 to index
      %get3A_544 = tpu.vector_load %arg6[%get3A_542, %get3A_543] {strides = array<i32>} : memref<16x512xf32, #tpu.memory_space<vmem>>, vector<1x16xf32>,
      %get3A_545 = vector.shape_cast %get3A_544 : vector<1x16xf32> to vector<16xf32>
      %sub3A_546 = arith.constant 1.000000e+00 : f32
      %sub3A_547 = vector.broadcast %sub3A_546 : f32 to vector<16xf32>
      %sub3A_548 = arith.subf %sub3A_547, %get3A_545 : vector<16xf32>
      %get3A_549 = arith.index_cast %select_n3A_242 : i32 to index
      %get3A_550 = arith.index_cast %add3A_541 : i32 to index
      %get3A_551 = tpu.vector_load %arg10[%get3A_549, %get3A_550] {strides = array<i32>} : memref<48x512xf32, #tpu.memory_space<vmem>>, vector<1x16xf32>,
      %get3A_552 = vector.shape_cast %get3A_551 : vector<1x16xf32> to vector<16xf32>
      %get3A_553 = arith.index_cast %select_n3A_242 : i32 to index
      %get3A_554 = arith.index_cast %add3A_541 : i32 to index
      %get3A_555 = tpu.vector_load %arg8[%get3A_553, %get3A_554] {strides = array<i32>} : memref<48x512xf32, #tpu.memory_space<vmem>>, vector<1x16xf32>,
      %get3A_556 = vector.shape_cast %get3A_555 : vector<1x16xf32> to vector<16xf32>
      %sub3A_557 = arith.subf %get3A_552, %get3A_556 : vector<16xf32>
      %add3A_558 = arith.constant 16 : i32
      %add3A_559 = arith.addi %add3A_558, %select_n3A_242 : i32
      %get3A_560 = arith.index_cast %add3A_559 : i32 to index
      %get3A_561 = arith.index_cast %add3A_541 : i32 to index
      %get3A_562 = tpu.vector_load %arg10[%get3A_560, %get3A_561] {strides = array<i32>} : memref<48x512xf32, #tpu.memory_space<vmem>>, vector<1x16xf32>,
      %get3A_563 = vector.shape_cast %get3A_562 : vector<1x16xf32> to vector<16xf32>
      %add3A_564 = arith.constant 16 : i32
      %add3A_565 = arith.addi %add3A_564, %select_n3A_242 : i32
      %get3A_566 = arith.index_cast %add3A_565 : i32 to index
      %get3A_567 = arith.index_cast %add3A_541 : i32 to index
      %get3A_568 = tpu.vector_load %arg8[%get3A_566, %get3A_567] {strides = array<i32>} : memref<48x512xf32, #tpu.memory_space<vmem>>, vector<1x16xf32>,
      %get3A_569 = vector.shape_cast %get3A_568 : vector<1x16xf32> to vector<16xf32>
      %sub3A_570 = arith.subf %get3A_563, %get3A_569 : vector<16xf32>
      %add3A_571 = arith.constant 32 : i32
      %add3A_572 = arith.addi %add3A_571, %select_n3A_242 : i32
      %get3A_573 = arith.index_cast %add3A_572 : i32 to index
      %get3A_574 = arith.index_cast %add3A_541 : i32 to index
      %get3A_575 = tpu.vector_load %arg10[%get3A_573, %get3A_574] {strides = array<i32>} : memref<48x512xf32, #tpu.memory_space<vmem>>, vector<1x16xf32>,
      %get3A_576 = vector.shape_cast %get3A_575 : vector<1x16xf32> to vector<16xf32>
      %add3A_577 = arith.constant 32 : i32
      %add3A_578 = arith.addi %add3A_577, %select_n3A_242 : i32
      %get3A_579 = arith.index_cast %add3A_578 : i32 to index
      %get3A_580 = arith.index_cast %add3A_541 : i32 to index
      %get3A_581 = tpu.vector_load %arg8[%get3A_579, %get3A_580] {strides = array<i32>} : memref<48x512xf32, #tpu.memory_space<vmem>>, vector<1x16xf32>,
      %get3A_582 = vector.shape_cast %get3A_581 : vector<1x16xf32> to vector<16xf32>
      %sub3A_583 = arith.subf %get3A_576, %get3A_582 : vector<16xf32>
      %mul3A_584 = arith.mulf %sub3A_557, %sub3A_557 : vector<16xf32>
      %mul3A_585 = arith.mulf %sub3A_570, %sub3A_570 : vector<16xf32>
      %add3A_586 = arith.addf %mul3A_584, %mul3A_585 : vector<16xf32>
      %mul3A_587 = arith.mulf %sub3A_583, %sub3A_583 : vector<16xf32>
      %add3A_588 = arith.addf %add3A_586, %mul3A_587 : vector<16xf32>
      %mul3A_589 = arith.mulf %add3A_588, %sub3A_548 : vector<16xf32>
      %add3A_590 = arith.addf %add3A_450, %mul3A_589 : vector<16xf32>
      %add3A_591 = arith.addf %add3A_451, %sub3A_548 : vector<16xf32>
      %jit3A_592 = arith.constant 4 : i32
      %eq3A_593 = arith.constant 0 : i32
      %eq3A_594 = arith.cmpi eq, %jit3A_592, %eq3A_593 : i32
      %jit3A_595 = arith.constant 1 : i32
      %select_n3A_596 = arith.select %eq3A_594, %jit3A_595, %jit3A_592 : i32
      %rem3A_597 = arith.remsi %scan3A_214, %select_n3A_596 : i32
      %ne3A_598 = arith.constant 0 : i32
      %ne3A_599 = arith.cmpi ne, %rem3A_597, %ne3A_598 : i32
      %lt3A_600 = arith.constant 0 : i32
      %lt3A_601 = arith.cmpi slt, %rem3A_597, %lt3A_600 : i32
      %lt3A_602 = arith.constant 0 : i32
      %lt3A_603 = arith.cmpi slt, %select_n3A_596, %lt3A_602 : i32
      %ne3A_604 = arith.xori %lt3A_601, %lt3A_603 : i1
      %and3A_605 = arith.andi %ne3A_604, %ne3A_599 : i1
      %add3A_606 = arith.addi %rem3A_597, %select_n3A_596 : i32
      %select_n3A_607 = arith.select %and3A_605, %add3A_606, %rem3A_597 : i32
      %mul3A_608 = arith.constant 128 : i32
      %mul3A_609 = arith.muli %select_n3A_607, %mul3A_608 : i32
      %add3A_610 = arith.constant 80 : i32
      %add3A_611 = arith.addi %mul3A_609, %add3A_610 : i32
      %get3A_612 = arith.index_cast %select_n3A_242 : i32 to index
      %get3A_613 = arith.index_cast %add3A_611 : i32 to index
      %get3A_614 = tpu.vector_load %arg6[%get3A_612, %get3A_613] {strides = array<i32>} : memref<16x512xf32, #tpu.memory_space<vmem>>, vector<1x16xf32>,
      %get3A_615 = vector.shape_cast %get3A_614 : vector<1x16xf32> to vector<16xf32>
      %sub3A_616 = arith.constant 1.000000e+00 : f32
      %sub3A_617 = vector.broadcast %sub3A_616 : f32 to vector<16xf32>
      %sub3A_618 = arith.subf %sub3A_617, %get3A_615 : vector<16xf32>
      %get3A_619 = arith.index_cast %select_n3A_242 : i32 to index
      %get3A_620 = arith.index_cast %add3A_611 : i32 to index
      %get3A_621 = tpu.vector_load %arg10[%get3A_619, %get3A_620] {strides = array<i32>} : memref<48x512xf32, #tpu.memory_space<vmem>>, vector<1x16xf32>,
      %get3A_622 = vector.shape_cast %get3A_621 : vector<1x16xf32> to vector<16xf32>
      %get3A_623 = arith.index_cast %select_n3A_242 : i32 to index
      %get3A_624 = arith.index_cast %add3A_611 : i32 to index
      %get3A_625 = tpu.vector_load %arg8[%get3A_623, %get3A_624] {strides = array<i32>} : memref<48x512xf32, #tpu.memory_space<vmem>>, vector<1x16xf32>,
      %get3A_626 = vector.shape_cast %get3A_625 : vector<1x16xf32> to vector<16xf32>
      %sub3A_627 = arith.subf %get3A_622, %get3A_626 : vector<16xf32>
      %add3A_628 = arith.constant 16 : i32
      %add3A_629 = arith.addi %add3A_628, %select_n3A_242 : i32
      %get3A_630 = arith.index_cast %add3A_629 : i32 to index
      %get3A_631 = arith.index_cast %add3A_611 : i32 to index
      %get3A_632 = tpu.vector_load %arg10[%get3A_630, %get3A_631] {strides = array<i32>} : memref<48x512xf32, #tpu.memory_space<vmem>>, vector<1x16xf32>,
      %get3A_633 = vector.shape_cast %get3A_632 : vector<1x16xf32> to vector<16xf32>
      %add3A_634 = arith.constant 16 : i32
      %add3A_635 = arith.addi %add3A_634, %select_n3A_242 : i32
      %get3A_636 = arith.index_cast %add3A_635 : i32 to index
      %get3A_637 = arith.index_cast %add3A_611 : i32 to index
      %get3A_638 = tpu.vector_load %arg8[%get3A_636, %get3A_637] {strides = array<i32>} : memref<48x512xf32, #tpu.memory_space<vmem>>, vector<1x16xf32>,
      %get3A_639 = vector.shape_cast %get3A_638 : vector<1x16xf32> to vector<16xf32>
      %sub3A_640 = arith.subf %get3A_633, %get3A_639 : vector<16xf32>
      %add3A_641 = arith.constant 32 : i32
      %add3A_642 = arith.addi %add3A_641, %select_n3A_242 : i32
      %get3A_643 = arith.index_cast %add3A_642 : i32 to index
      %get3A_644 = arith.index_cast %add3A_611 : i32 to index
      %get3A_645 = tpu.vector_load %arg10[%get3A_643, %get3A_644] {strides = array<i32>} : memref<48x512xf32, #tpu.memory_space<vmem>>, vector<1x16xf32>,
      %get3A_646 = vector.shape_cast %get3A_645 : vector<1x16xf32> to vector<16xf32>
      %add3A_647 = arith.constant 32 : i32
      %add3A_648 = arith.addi %add3A_647, %select_n3A_242 : i32
      %get3A_649 = arith.index_cast %add3A_648 : i32 to index
      %get3A_650 = arith.index_cast %add3A_611 : i32 to index
      %get3A_651 = tpu.vector_load %arg8[%get3A_649, %get3A_650] {strides = array<i32>} : memref<48x512xf32, #tpu.memory_space<vmem>>, vector<1x16xf32>,
      %get3A_652 = vector.shape_cast %get3A_651 : vector<1x16xf32> to vector<16xf32>
      %sub3A_653 = arith.subf %get3A_646, %get3A_652 : vector<16xf32>
      %mul3A_654 = arith.mulf %sub3A_627, %sub3A_627 : vector<16xf32>
      %mul3A_655 = arith.mulf %sub3A_640, %sub3A_640 : vector<16xf32>
      %add3A_656 = arith.addf %mul3A_654, %mul3A_655 : vector<16xf32>
      %mul3A_657 = arith.mulf %sub3A_653, %sub3A_653 : vector<16xf32>
      %add3A_658 = arith.addf %add3A_656, %mul3A_657 : vector<16xf32>
      %mul3A_659 = arith.mulf %add3A_658, %sub3A_618 : vector<16xf32>
      %add3A_660 = arith.addf %add3A_520, %mul3A_659 : vector<16xf32>
      %add3A_661 = arith.addf %add3A_521, %sub3A_618 : vector<16xf32>
      %jit3A_662 = arith.constant 4 : i32
      %eq3A_663 = arith.constant 0 : i32
      %eq3A_664 = arith.cmpi eq, %jit3A_662, %eq3A_663 : i32
      %jit3A_665 = arith.constant 1 : i32
      %select_n3A_666 = arith.select %eq3A_664, %jit3A_665, %jit3A_662 : i32
      %rem3A_667 = arith.remsi %scan3A_214, %select_n3A_666 : i32
      %ne3A_668 = arith.constant 0 : i32
      %ne3A_669 = arith.cmpi ne, %rem3A_667, %ne3A_668 : i32
      %lt3A_670 = arith.constant 0 : i32
      %lt3A_671 = arith.cmpi slt, %rem3A_667, %lt3A_670 : i32
      %lt3A_672 = arith.constant 0 : i32
      %lt3A_673 = arith.cmpi slt, %select_n3A_666, %lt3A_672 : i32
      %ne3A_674 = arith.xori %lt3A_671, %lt3A_673 : i1
      %and3A_675 = arith.andi %ne3A_674, %ne3A_669 : i1
      %add3A_676 = arith.addi %rem3A_667, %select_n3A_666 : i32
      %select_n3A_677 = arith.select %and3A_675, %add3A_676, %rem3A_667 : i32
      %mul3A_678 = arith.constant 128 : i32
      %mul3A_679 = arith.muli %select_n3A_677, %mul3A_678 : i32
      %add3A_680 = arith.constant 96 : i32
      %add3A_681 = arith.addi %mul3A_679, %add3A_680 : i32
      %get3A_682 = arith.index_cast %select_n3A_242 : i32 to index
      %get3A_683 = arith.index_cast %add3A_681 : i32 to index
      %get3A_684 = tpu.vector_load %arg6[%get3A_682, %get3A_683] {strides = array<i32>} : memref<16x512xf32, #tpu.memory_space<vmem>>, vector<1x16xf32>,
      %get3A_685 = vector.shape_cast %get3A_684 : vector<1x16xf32> to vector<16xf32>
      %sub3A_686 = arith.constant 1.000000e+00 : f32
      %sub3A_687 = vector.broadcast %sub3A_686 : f32 to vector<16xf32>
      %sub3A_688 = arith.subf %sub3A_687, %get3A_685 : vector<16xf32>
      %get3A_689 = arith.index_cast %select_n3A_242 : i32 to index
      %get3A_690 = arith.index_cast %add3A_681 : i32 to index
      %get3A_691 = tpu.vector_load %arg10[%get3A_689, %get3A_690] {strides = array<i32>} : memref<48x512xf32, #tpu.memory_space<vmem>>, vector<1x16xf32>,
      %get3A_692 = vector.shape_cast %get3A_691 : vector<1x16xf32> to vector<16xf32>
      %get3A_693 = arith.index_cast %select_n3A_242 : i32 to index
      %get3A_694 = arith.index_cast %add3A_681 : i32 to index
      %get3A_695 = tpu.vector_load %arg8[%get3A_693, %get3A_694] {strides = array<i32>} : memref<48x512xf32, #tpu.memory_space<vmem>>, vector<1x16xf32>,
      %get3A_696 = vector.shape_cast %get3A_695 : vector<1x16xf32> to vector<16xf32>
      %sub3A_697 = arith.subf %get3A_692, %get3A_696 : vector<16xf32>
      %add3A_698 = arith.constant 16 : i32
      %add3A_699 = arith.addi %add3A_698, %select_n3A_242 : i32
      %get3A_700 = arith.index_cast %add3A_699 : i32 to index
      %get3A_701 = arith.index_cast %add3A_681 : i32 to index
      %get3A_702 = tpu.vector_load %arg10[%get3A_700, %get3A_701] {strides = array<i32>} : memref<48x512xf32, #tpu.memory_space<vmem>>, vector<1x16xf32>,
      %get3A_703 = vector.shape_cast %get3A_702 : vector<1x16xf32> to vector<16xf32>
      %add3A_704 = arith.constant 16 : i32
      %add3A_705 = arith.addi %add3A_704, %select_n3A_242 : i32
      %get3A_706 = arith.index_cast %add3A_705 : i32 to index
      %get3A_707 = arith.index_cast %add3A_681 : i32 to index
      %get3A_708 = tpu.vector_load %arg8[%get3A_706, %get3A_707] {strides = array<i32>} : memref<48x512xf32, #tpu.memory_space<vmem>>, vector<1x16xf32>,
      %get3A_709 = vector.shape_cast %get3A_708 : vector<1x16xf32> to vector<16xf32>
      %sub3A_710 = arith.subf %get3A_703, %get3A_709 : vector<16xf32>
      %add3A_711 = arith.constant 32 : i32
      %add3A_712 = arith.addi %add3A_711, %select_n3A_242 : i32
      %get3A_713 = arith.index_cast %add3A_712 : i32 to index
      %get3A_714 = arith.index_cast %add3A_681 : i32 to index
      %get3A_715 = tpu.vector_load %arg10[%get3A_713, %get3A_714] {strides = array<i32>} : memref<48x512xf32, #tpu.memory_space<vmem>>, vector<1x16xf32>,
      %get3A_716 = vector.shape_cast %get3A_715 : vector<1x16xf32> to vector<16xf32>
      %add3A_717 = arith.constant 32 : i32
      %add3A_718 = arith.addi %add3A_717, %select_n3A_242 : i32
      %get3A_719 = arith.index_cast %add3A_718 : i32 to index
      %get3A_720 = arith.index_cast %add3A_681 : i32 to index
      %get3A_721 = tpu.vector_load %arg8[%get3A_719, %get3A_720] {strides = array<i32>} : memref<48x512xf32, #tpu.memory_space<vmem>>, vector<1x16xf32>,
      %get3A_722 = vector.shape_cast %get3A_721 : vector<1x16xf32> to vector<16xf32>
      %sub3A_723 = arith.subf %get3A_716, %get3A_722 : vector<16xf32>
      %mul3A_724 = arith.mulf %sub3A_697, %sub3A_697 : vector<16xf32>
      %mul3A_725 = arith.mulf %sub3A_710, %sub3A_710 : vector<16xf32>
      %add3A_726 = arith.addf %mul3A_724, %mul3A_725 : vector<16xf32>
      %mul3A_727 = arith.mulf %sub3A_723, %sub3A_723 : vector<16xf32>
      %add3A_728 = arith.addf %add3A_726, %mul3A_727 : vector<16xf32>
      %mul3A_729 = arith.mulf %add3A_728, %sub3A_688 : vector<16xf32>
      %add3A_730 = arith.addf %add3A_590, %mul3A_729 : vector<16xf32>
      %add3A_731 = arith.addf %add3A_591, %sub3A_688 : vector<16xf32>
      %jit3A_732 = arith.constant 4 : i32
      %eq3A_733 = arith.constant 0 : i32
      %eq3A_734 = arith.cmpi eq, %jit3A_732, %eq3A_733 : i32
      %jit3A_735 = arith.constant 1 : i32
      %select_n3A_736 = arith.select %eq3A_734, %jit3A_735, %jit3A_732 : i32
      %rem3A_737 = arith.remsi %scan3A_214, %select_n3A_736 : i32
      %ne3A_738 = arith.constant 0 : i32
      %ne3A_739 = arith.cmpi ne, %rem3A_737, %ne3A_738 : i32
      %lt3A_740 = arith.constant 0 : i32
      %lt3A_741 = arith.cmpi slt, %rem3A_737, %lt3A_740 : i32
      %lt3A_742 = arith.constant 0 : i32
      %lt3A_743 = arith.cmpi slt, %select_n3A_736, %lt3A_742 : i32
      %ne3A_744 = arith.xori %lt3A_741, %lt3A_743 : i1
      %and3A_745 = arith.andi %ne3A_744, %ne3A_739 : i1
      %add3A_746 = arith.addi %rem3A_737, %select_n3A_736 : i32
      %select_n3A_747 = arith.select %and3A_745, %add3A_746, %rem3A_737 : i32
      %mul3A_748 = arith.constant 128 : i32
      %mul3A_749 = arith.muli %select_n3A_747, %mul3A_748 : i32
      %add3A_750 = arith.constant 112 : i32
      %add3A_751 = arith.addi %mul3A_749, %add3A_750 : i32
      %get3A_752 = arith.index_cast %select_n3A_242 : i32 to index
      %get3A_753 = arith.index_cast %add3A_751 : i32 to index
      %get3A_754 = tpu.vector_load %arg6[%get3A_752, %get3A_753] {strides = array<i32>} : memref<16x512xf32, #tpu.memory_space<vmem>>, vector<1x16xf32>,
      %get3A_755 = vector.shape_cast %get3A_754 : vector<1x16xf32> to vector<16xf32>
      %sub3A_756 = arith.constant 1.000000e+00 : f32
      %sub3A_757 = vector.broadcast %sub3A_756 : f32 to vector<16xf32>
      %sub3A_758 = arith.subf %sub3A_757, %get3A_755 : vector<16xf32>
      %get3A_759 = arith.index_cast %select_n3A_242 : i32 to index
      %get3A_760 = arith.index_cast %add3A_751 : i32 to index
      %get3A_761 = tpu.vector_load %arg10[%get3A_759, %get3A_760] {strides = array<i32>} : memref<48x512xf32, #tpu.memory_space<vmem>>, vector<1x16xf32>,
      %get3A_762 = vector.shape_cast %get3A_761 : vector<1x16xf32> to vector<16xf32>
      %get3A_763 = arith.index_cast %select_n3A_242 : i32 to index
      %get3A_764 = arith.index_cast %add3A_751 : i32 to index
      %get3A_765 = tpu.vector_load %arg8[%get3A_763, %get3A_764] {strides = array<i32>} : memref<48x512xf32, #tpu.memory_space<vmem>>, vector<1x16xf32>,
      %get3A_766 = vector.shape_cast %get3A_765 : vector<1x16xf32> to vector<16xf32>
      %sub3A_767 = arith.subf %get3A_762, %get3A_766 : vector<16xf32>
      %add3A_768 = arith.constant 16 : i32
      %add3A_769 = arith.addi %add3A_768, %select_n3A_242 : i32
      %get3A_770 = arith.index_cast %add3A_769 : i32 to index
      %get3A_771 = arith.index_cast %add3A_751 : i32 to index
      %get3A_772 = tpu.vector_load %arg10[%get3A_770, %get3A_771] {strides = array<i32>} : memref<48x512xf32, #tpu.memory_space<vmem>>, vector<1x16xf32>,
      %get3A_773 = vector.shape_cast %get3A_772 : vector<1x16xf32> to vector<16xf32>
      %add3A_774 = arith.constant 16 : i32
      %add3A_775 = arith.addi %add3A_774, %select_n3A_242 : i32
      %get3A_776 = arith.index_cast %add3A_775 : i32 to index
      %get3A_777 = arith.index_cast %add3A_751 : i32 to index
      %get3A_778 = tpu.vector_load %arg8[%get3A_776, %get3A_777] {strides = array<i32>} : memref<48x512xf32, #tpu.memory_space<vmem>>, vector<1x16xf32>,
      %get3A_779 = vector.shape_cast %get3A_778 : vector<1x16xf32> to vector<16xf32>
      %sub3A_780 = arith.subf %get3A_773, %get3A_779 : vector<16xf32>
      %add3A_781 = arith.constant 32 : i32
      %add3A_782 = arith.addi %add3A_781, %select_n3A_242 : i32
      %get3A_783 = arith.index_cast %add3A_782 : i32 to index
      %get3A_784 = arith.index_cast %add3A_751 : i32 to index
      %get3A_785 = tpu.vector_load %arg10[%get3A_783, %get3A_784] {strides = array<i32>} : memref<48x512xf32, #tpu.memory_space<vmem>>, vector<1x16xf32>,
      %get3A_786 = vector.shape_cast %get3A_785 : vector<1x16xf32> to vector<16xf32>
      %add3A_787 = arith.constant 32 : i32
      %add3A_788 = arith.addi %add3A_787, %select_n3A_242 : i32
      %get3A_789 = arith.index_cast %add3A_788 : i32 to index
      %get3A_790 = arith.index_cast %add3A_751 : i32 to index
      %get3A_791 = tpu.vector_load %arg8[%get3A_789, %get3A_790] {strides = array<i32>} : memref<48x512xf32, #tpu.memory_space<vmem>>, vector<1x16xf32>,
      %get3A_792 = vector.shape_cast %get3A_791 : vector<1x16xf32> to vector<16xf32>
      %sub3A_793 = arith.subf %get3A_786, %get3A_792 : vector<16xf32>
      %mul3A_794 = arith.mulf %sub3A_767, %sub3A_767 : vector<16xf32>
      %mul3A_795 = arith.mulf %sub3A_780, %sub3A_780 : vector<16xf32>
      %add3A_796 = arith.addf %mul3A_794, %mul3A_795 : vector<16xf32>
      %mul3A_797 = arith.mulf %sub3A_793, %sub3A_793 : vector<16xf32>
      %add3A_798 = arith.addf %add3A_796, %mul3A_797 : vector<16xf32>
      %mul3A_799 = arith.mulf %add3A_798, %sub3A_758 : vector<16xf32>
      %add3A_800 = arith.addf %add3A_660, %mul3A_799 : vector<16xf32>
      %add3A_801 = arith.addf %add3A_661, %sub3A_758 : vector<16xf32>
      scf.yield %add3A_730, %add3A_800, %add3A_731, %add3A_801 : vector<16xf32>, vector<16xf32>, vector<16xf32>, vector<16xf32>
    }
    %scan3A_198 = arith.constant 64 : i32
    %add3A_199 = arith.addf %scan3A_197#0, %scan3A_197#1 : vector<16xf32>
    %swap3A = arith.constant 0 : index
    %swap3A_200 = tpu.vector_load %arg12[%swap3A] {strides = array<i32>} : memref<32xf32, #tpu.memory_space<vmem>>, vector<16xf32>,
    %swap3A_201 = vector.shape_cast %swap3A_200 : vector<16xf32> to vector<16xf32>
    %swap3A_202 = vector.shape_cast %add3A_199 : vector<16xf32> to vector<16xf32>
    tpu.vector_store %arg12[%swap3A], %swap3A_202 {strides = array<i32>} : memref<32xf32, #tpu.memory_space<vmem>>, vector<16xf32>,
    %add3A_203 = arith.addf %scan3A_197#2, %scan3A_197#3 : vector<16xf32>
    %swap3A_204 = arith.constant 16 : index
    %swap3A_205 = tpu.vector_load %arg12[%swap3A_204] {strides = array<i32>} : memref<32xf32, #tpu.memory_space<vmem>>, vector<16xf32>,
    %swap3A_206 = vector.shape_cast %swap3A_205 : vector<16xf32> to vector<16xf32>
    %swap3A_207 = vector.shape_cast %add3A_203 : vector<16xf32> to vector<16xf32>
    tpu.vector_store %arg12[%swap3A_204], %swap3A_207 {strides = array<i32>} : memref<32xf32, #tpu.memory_space<vmem>>, vector<16xf32>,
    %mul3A_208 = arith.constant 16 : i32
    %mul3A_209 = arith.muli %add3A, %mul3A_208 : i32
    "tpu.region"() ({
      %run_scoped3A = tpu.sem_alloc : memref<!tpu.dma_semaphore, #tpu.memory_space<semaphore_mem>>
      %dma_start3A_214 = arith.constant 0 : i32
      %dma_start3A_215 = tpu.memref_slice %arg12[%dma_start3A_214] : memref<32xf32, #tpu.memory_space<vmem>> -> memref<16xf32, #tpu.memory_space<vmem>>
      %dma_start3A_216 = tpu.memref_slice %arg5[%mul3A_209] : memref<1024xf32, #tpu.memory_space<hbm>> -> memref<16xf32, #tpu.memory_space<hbm>>
      %dma_start3A_217 = tpu.memref_slice %arg5[%mul3A_209] : memref<1024xf32, #tpu.memory_space<hbm>> -> memref<16xf32, #tpu.memory_space<hbm>>
      %dma_start3A_218 = arith.constant 0 : i32
      %dma_start3A_219 = tpu.memref_slice %arg12[%dma_start3A_218] : memref<32xf32, #tpu.memory_space<vmem>> -> memref<16xf32, #tpu.memory_space<vmem>>
      tpu.enqueue_dma source(%dma_start3A_219 : memref<16xf32, #tpu.memory_space<vmem>>) target(%dma_start3A_217 : memref<16xf32, #tpu.memory_space<hbm>>) target_semaphore(%run_scoped3A : memref<!tpu.dma_semaphore, #tpu.memory_space<semaphore_mem>>)
      %dma_wait3A_220 = arith.constant 0 : i32
      %dma_wait3A_221 = tpu.memref_slice %arg12[%dma_wait3A_220] : memref<32xf32, #tpu.memory_space<vmem>> -> memref<16xf32, #tpu.memory_space<vmem>>
      %dma_wait3A_222 = tpu.memref_slice %arg5[%mul3A_209] : memref<1024xf32, #tpu.memory_space<hbm>> -> memref<16xf32, #tpu.memory_space<hbm>>
      %dma_wait3A_223 = tpu.memref_slice %arg5[%mul3A_209] : memref<1024xf32, #tpu.memory_space<hbm>> -> memref<16xf32, #tpu.memory_space<hbm>>
      %dma_wait3A_224 = arith.constant 0 : i32
      %dma_wait3A_225 = tpu.memref_slice %arg12[%dma_wait3A_224] : memref<32xf32, #tpu.memory_space<vmem>> -> memref<16xf32, #tpu.memory_space<vmem>>
      tpu.wait_dma2 semaphore(%run_scoped3A : memref<!tpu.dma_semaphore, #tpu.memory_space<semaphore_mem>>) src(%dma_wait3A_225 : memref<16xf32, #tpu.memory_space<vmem>>) dst(%dma_wait3A_223 : memref<16xf32, #tpu.memory_space<hbm>>)
      tpu.yield
    }) : () -> ()
    %mul3A_210 = arith.constant 16 : i32
    %mul3A_211 = arith.muli %add3A, %mul3A_210 : i32
    %add3A_212 = arith.constant 512 : i32
    %add3A_213 = arith.addi %add3A_212, %mul3A_211 : i32
    "tpu.region"() ({
      %run_scoped3A = tpu.sem_alloc : memref<!tpu.dma_semaphore, #tpu.memory_space<semaphore_mem>>
      %dma_start3A_214 = arith.constant 16 : i32
      %dma_start3A_215 = tpu.memref_slice %arg12[%dma_start3A_214] : memref<32xf32, #tpu.memory_space<vmem>> -> memref<16xf32, #tpu.memory_space<vmem>>
      %dma_start3A_216 = tpu.memref_slice %arg5[%add3A_213] : memref<1024xf32, #tpu.memory_space<hbm>> -> memref<16xf32, #tpu.memory_space<hbm>>
      %dma_start3A_217 = tpu.memref_slice %arg5[%add3A_213] : memref<1024xf32, #tpu.memory_space<hbm>> -> memref<16xf32, #tpu.memory_space<hbm>>
      %dma_start3A_218 = arith.constant 16 : i32
      %dma_start3A_219 = tpu.memref_slice %arg12[%dma_start3A_218] : memref<32xf32, #tpu.memory_space<vmem>> -> memref<16xf32, #tpu.memory_space<vmem>>
      tpu.enqueue_dma source(%dma_start3A_219 : memref<16xf32, #tpu.memory_space<vmem>>) target(%dma_start3A_217 : memref<16xf32, #tpu.memory_space<hbm>>) target_semaphore(%run_scoped3A : memref<!tpu.dma_semaphore, #tpu.memory_space<semaphore_mem>>)
      %dma_wait3A_220 = arith.constant 16 : i32
      %dma_wait3A_221 = tpu.memref_slice %arg12[%dma_wait3A_220] : memref<32xf32, #tpu.memory_space<vmem>> -> memref<16xf32, #tpu.memory_space<vmem>>
      %dma_wait3A_222 = tpu.memref_slice %arg5[%add3A_213] : memref<1024xf32, #tpu.memory_space<hbm>> -> memref<16xf32, #tpu.memory_space<hbm>>
      %dma_wait3A_223 = tpu.memref_slice %arg5[%add3A_213] : memref<1024xf32, #tpu.memory_space<hbm>> -> memref<16xf32, #tpu.memory_space<hbm>>
      %dma_wait3A_224 = arith.constant 16 : i32
      %dma_wait3A_225 = tpu.memref_slice %arg12[%dma_wait3A_224] : memref<32xf32, #tpu.memory_space<vmem>> -> memref<16xf32, #tpu.memory_space<vmem>>
      tpu.wait_dma2 semaphore(%run_scoped3A : memref<!tpu.dma_semaphore, #tpu.memory_space<semaphore_mem>>) src(%dma_wait3A_225 : memref<16xf32, #tpu.memory_space<vmem>>) dst(%dma_wait3A_223 : memref<16xf32, #tpu.memory_space<hbm>>)
      tpu.yield
    }) : () -> ()
    return
  }
}

module attributes {stable_mosaic.version = 14 : i64} {
  func.func @_combine_body(%arg0: memref<1024xf32, #tpu.memory_space<vmem>>, %arg1: memref<2xf32, #tpu.memory_space<smem>>, %arg2: memref<1xf32, #tpu.memory_space<smem>>) attributes {dimension_semantics = [], scalar_prefetch = 0 : i64, scratch_operands = 0 : i64, tpu.core_type = #tpu.core_type<tc>} {
    %get3A = arith.constant 0 : index
    %get3A_0 = vector.load %arg0[%get3A] : memref<1024xf32, #tpu.memory_space<vmem>>, vector<512xf32>
    %reduce_sum3A = vector.shape_cast %get3A_0 : vector<512xf32> to vector<1x512xf32>
    %reduce_sum3A_1 = arith.constant dense<0.000000e+00> : vector<1xf32>
    %reduce_sum3A_2 = vector.multi_reduction <add>, %reduce_sum3A, %reduce_sum3A_1 [1] : vector<1x512xf32> to vector<1xf32>
    %reduce_sum3A_3 = vector.shape_cast %reduce_sum3A_2 : vector<1xf32> to vector<1x1xf32>
    %reduce_sum3A_4 = vector.extract %reduce_sum3A_3[0, 0] : f32 from vector<1x1xf32>
    %get3A_5 = arith.constant 0 : index
    %get3A_6 = memref.load %arg1[%get3A_5] : memref<2xf32, #tpu.memory_space<smem>>
    %add3A = arith.addf %reduce_sum3A_4, %get3A_6 : f32
    %get3A_7 = arith.constant 512 : index
    %get3A_8 = vector.load %arg0[%get3A_7] : memref<1024xf32, #tpu.memory_space<vmem>>, vector<512xf32>
    %reduce_sum3A_9 = vector.shape_cast %get3A_8 : vector<512xf32> to vector<1x512xf32>
    %reduce_sum3A_10 = arith.constant dense<0.000000e+00> : vector<1xf32>
    %reduce_sum3A_11 = vector.multi_reduction <add>, %reduce_sum3A_9, %reduce_sum3A_10 [1] : vector<1x512xf32> to vector<1xf32>
    %reduce_sum3A_12 = vector.shape_cast %reduce_sum3A_11 : vector<1xf32> to vector<1x1xf32>
    %reduce_sum3A_13 = vector.extract %reduce_sum3A_12[0, 0] : f32 from vector<1x1xf32>
    %mul3A = arith.constant 3.000000e+00 : f32
    %mul3A_14 = arith.mulf %mul3A, %reduce_sum3A_13 : f32
    %get3A_15 = arith.constant 1 : index
    %get3A_16 = memref.load %arg1[%get3A_15] : memref<2xf32, #tpu.memory_space<smem>>
    %add3A_17 = arith.addf %mul3A_14, %get3A_16 : f32
    %div3A = arith.divf %add3A, %add3A_17 : f32
    %swap3A = arith.constant 0 : index
    %swap3A_18 = memref.load %arg2[%swap3A] : memref<1xf32, #tpu.memory_space<smem>>
    memref.store %div3A, %arg2[%swap3A] : memref<1xf32, #tpu.memory_space<smem>>
    return
  }
}

module attributes {stable_mosaic.version = 14 : i64} {
  func.func @_tc_body(%arg0: i32, %arg1: memref<1x3x512x512xf32, #tpu.memory_space<vmem>>, %arg2: memref<1x3x512x512xf32, #tpu.memory_space<vmem>>, %arg3: memref<1x1x512x512xi8, #tpu.memory_space<vmem>>, %arg4: memref<2xf32, #tpu.memory_space<smem>>, %arg5: memref<2xf32, #tpu.memory_space<smem>>) attributes {dimension_semantics = [#tpu.dimension_semantics<arbitrary>], iteration_bounds = array<i64: 15>, scalar_prefetch = 0 : i64, scratch_operands = 1 : i64, tpu.core_type = #tpu.core_type<tc>, window_params = [{transform_indices = @transform_0, window_bounds = array<i64: 1, 3, 512, 512>}, {transform_indices = @transform_1, window_bounds = array<i64: 1, 3, 512, 512>}, {transform_indices = @transform_2, window_bounds = array<i64: 1, 1, 512, 512>}, {transform_indices = @transform_3, window_bounds = array<i64: 2>}]} {
    %eq3A = arith.constant 0 : i32
    %eq3A_0 = arith.cmpi eq, %arg0, %eq3A : i32
    %convert_element_type3A = arith.extui %eq3A_0 : i1 to i32
    %cond3A = arith.constant 0 : i32
    %cond3A_1 = arith.cmpi ne, %convert_element_type3A, %cond3A : i32
    scf.if %cond3A_1 {
      %swap3A_49 = arith.constant 0.000000e+00 : f32
      %swap3A_50 = arith.constant 0 : index
      %swap3A_51 = memref.load %arg5[%swap3A_50] : memref<2xf32, #tpu.memory_space<smem>>
      memref.store %swap3A_49, %arg5[%swap3A_50] : memref<2xf32, #tpu.memory_space<smem>>
      %swap3A_52 = arith.constant 0.000000e+00 : f32
      %swap3A_53 = arith.constant 1 : index
      %swap3A_54 = memref.load %arg5[%swap3A_53] : memref<2xf32, #tpu.memory_space<smem>>
      memref.store %swap3A_52, %arg5[%swap3A_53] : memref<2xf32, #tpu.memory_space<smem>>
    } else {
    }
    %get3A = arith.constant 0 : index
    %get3A_2 = arith.constant 0 : index
    %get3A_3 = arith.constant 0 : index
    %get3A_4 = arith.constant 0 : index
    %get3A_5 = vector.load %arg3[%get3A, %get3A_2, %get3A_3, %get3A_4] : memref<1x1x512x512xi8, #tpu.memory_space<vmem>>, vector<1x1x512x512xi8>
    %get3A_6 = vector.shape_cast %get3A_5 : vector<1x1x512x512xi8> to vector<512x512xi8>
    %convert_element_type3A_7 = arith.uitofp %get3A_6 : vector<512x512xi8> to vector<512x512xf32>
    %sub3A = arith.constant 1.000000e+00 : f32
    %sub3A_8 = vector.broadcast %sub3A : f32 to vector<512x512xf32>
    %sub3A_9 = arith.subf %sub3A_8, %convert_element_type3A_7 : vector<512x512xf32>
    %get3A_10 = arith.constant 0 : index
    %get3A_11 = arith.constant 0 : index
    %get3A_12 = arith.constant 0 : index
    %get3A_13 = arith.constant 0 : index
    %get3A_14 = vector.load %arg2[%get3A_10, %get3A_11, %get3A_12, %get3A_13] : memref<1x3x512x512xf32, #tpu.memory_space<vmem>>, vector<1x3x512x512xf32>
    %get3A_15 = vector.shape_cast %get3A_14 : vector<1x3x512x512xf32> to vector<3x512x512xf32>
    %get3A_16 = arith.constant 0 : index
    %get3A_17 = arith.constant 0 : index
    %get3A_18 = arith.constant 0 : index
    %get3A_19 = arith.constant 0 : index
    %get3A_20 = vector.load %arg1[%get3A_16, %get3A_17, %get3A_18, %get3A_19] : memref<1x3x512x512xf32, #tpu.memory_space<vmem>>, vector<1x3x512x512xf32>
    %get3A_21 = vector.shape_cast %get3A_20 : vector<1x3x512x512xf32> to vector<3x512x512xf32>
    %sub3A_22 = arith.subf %get3A_15, %get3A_21 : vector<3x512x512xf32>
    %get3A_23 = arith.constant 0 : index
    %get3A_24 = memref.load %arg5[%get3A_23] : memref<2xf32, #tpu.memory_space<smem>>
    %mul3A = arith.mulf %sub3A_22, %sub3A_22 : vector<3x512x512xf32>
    %broadcast_in_dim3A = vector.shape_cast %sub3A_9 : vector<512x512xf32> to vector<1x512x512xf32>
    %mul3A_25 = vector.broadcast %broadcast_in_dim3A : vector<1x512x512xf32> to vector<3x512x512xf32>
    %mul3A_26 = arith.mulf %mul3A, %mul3A_25 : vector<3x512x512xf32>
    %reduce_sum3A = vector.shape_cast %mul3A_26 : vector<3x512x512xf32> to vector<1x3x512x512xf32>
    %reduce_sum3A_27 = arith.constant dense<0.000000e+00> : vector<1xf32>
    %reduce_sum3A_28 = vector.multi_reduction <add>, %reduce_sum3A, %reduce_sum3A_27 [1, 2, 3] : vector<1x3x512x512xf32> to vector<1xf32>
    %reduce_sum3A_29 = vector.shape_cast %reduce_sum3A_28 : vector<1xf32> to vector<1x1x1x1xf32>
    %reduce_sum3A_30 = vector.extract %reduce_sum3A_29[0, 0, 0, 0] : f32 from vector<1x1x1x1xf32>
    %add3A = arith.addf %get3A_24, %reduce_sum3A_30 : f32
    %swap3A = arith.constant 0 : index
    %swap3A_31 = memref.load %arg5[%swap3A] : memref<2xf32, #tpu.memory_space<smem>>
    memref.store %add3A, %arg5[%swap3A] : memref<2xf32, #tpu.memory_space<smem>>
    %get3A_32 = arith.constant 1 : index
    %get3A_33 = memref.load %arg5[%get3A_32] : memref<2xf32, #tpu.memory_space<smem>>
    %reduce_sum3A_34 = vector.shape_cast %sub3A_9 : vector<512x512xf32> to vector<1x512x512xf32>
    %reduce_sum3A_35 = arith.constant dense<0.000000e+00> : vector<1xf32>
    %reduce_sum3A_36 = vector.multi_reduction <add>, %reduce_sum3A_34, %reduce_sum3A_35 [1, 2] : vector<1x512x512xf32> to vector<1xf32>
    %reduce_sum3A_37 = vector.shape_cast %reduce_sum3A_36 : vector<1xf32> to vector<1x1x1xf32>
    %reduce_sum3A_38 = vector.extract %reduce_sum3A_37[0, 0, 0] : f32 from vector<1x1x1xf32>
    %mul3A_39 = arith.constant 3.000000e+00 : f32
    %mul3A_40 = arith.mulf %reduce_sum3A_38, %mul3A_39 : f32
    %add3A_41 = arith.addf %get3A_33, %mul3A_40 : f32
    %swap3A_42 = arith.constant 1 : index
    %swap3A_43 = memref.load %arg5[%swap3A_42] : memref<2xf32, #tpu.memory_space<smem>>
    memref.store %add3A_41, %arg5[%swap3A_42] : memref<2xf32, #tpu.memory_space<smem>>
    %eq3A_44 = arith.constant 14 : i32
    %eq3A_45 = arith.cmpi eq, %arg0, %eq3A_44 : i32
    %convert_element_type3A_46 = arith.extui %eq3A_45 : i1 to i32
    %cond3A_47 = arith.constant 0 : i32
    %cond3A_48 = arith.cmpi ne, %convert_element_type3A_46, %cond3A_47 : i32
    scf.if %cond3A_48 {
      %get3A_49 = arith.constant 0 : index
      %get3A_50 = memref.load %arg5[%get3A_49] : memref<2xf32, #tpu.memory_space<smem>>
      %swap3A_51 = arith.constant 0 : index
      %swap3A_52 = memref.load %arg4[%swap3A_51] : memref<2xf32, #tpu.memory_space<smem>>
      memref.store %get3A_50, %arg4[%swap3A_51] : memref<2xf32, #tpu.memory_space<smem>>
      %get3A_53 = arith.constant 1 : index
      %get3A_54 = memref.load %arg5[%get3A_53] : memref<2xf32, #tpu.memory_space<smem>>
      %swap3A_55 = arith.constant 1 : index
      %swap3A_56 = memref.load %arg4[%swap3A_55] : memref<2xf32, #tpu.memory_space<smem>>
      memref.store %get3A_54, %arg4[%swap3A_55] : memref<2xf32, #tpu.memory_space<smem>>
    } else {
    }
    return
  }
  func.func @transform_0(%arg0: i32) -> (i32, i32, i32, i32) {
    %c0_i32 = arith.constant 0 : i32
    %c0_i32_0 = arith.constant 0 : i32
    %c0_i32_1 = arith.constant 0 : i32
    %c0_i32_2 = arith.constant 0 : i32
    return %arg0, %c0_i32, %c0_i32_0, %c0_i32_1 : i32, i32, i32, i32
  }
  func.func @transform_1(%arg0: i32) -> (i32, i32, i32, i32) {
    %c0_i32 = arith.constant 0 : i32
    %c0_i32_0 = arith.constant 0 : i32
    %c0_i32_1 = arith.constant 0 : i32
    %c0_i32_2 = arith.constant 0 : i32
    return %arg0, %c0_i32, %c0_i32_0, %c0_i32_1 : i32, i32, i32, i32
  }
  func.func @transform_2(%arg0: i32) -> (i32, i32, i32, i32) {
    %c0_i32 = arith.constant 0 : i32
    %c0_i32_0 = arith.constant 0 : i32
    %c0_i32_1 = arith.constant 0 : i32
    %c0_i32_2 = arith.constant 0 : i32
    return %arg0, %c0_i32, %c0_i32_0, %c0_i32_1 : i32, i32, i32, i32
  }
  func.func @transform_3(%arg0: i32) -> i32 {
    %c0_i32 = arith.constant 0 : i32
    %c0_i32_0 = arith.constant 0 : i32
    return %c0_i32 : i32
  }
}

</mosaic_0001>

<sc_bundles>
// kernel: kernel.6.cloned.1.call-start
scs
__scs_entry_jumppad:
0x0: {  	(pc) =	sbr.rel $0x88, $3  }
0x1: {  	(tag) =	ssettag $0x0;
	lr =	simm.s32 $0x1  }
0x2: {  	[smem:$0x3F9E] =	sst lr;
	_ =	strace $0xD0000000  }
0x3: {  	_ = 	snop  }
0x4: {  	_ = 	snop  }
0x5: {  	_ = 	snop  }
0x6: {  	_ = 	snop  }
0x7: {  	_ = 	snop  }
__scs_overlays_trampoline_lowered:
0x8: {  	[smem:$0x3FAD] =	sst s0  }
0x9: {  	[smem:$0x3FAE] =	sst s1  }
0xa: {  	[smem:$0x3FAF] =	sst s2  }
0xb: {  	[smem:$0x3FB0] =	sst s3  }
0xc: {  	[smem:$0x3FB1] =	sst s4  }
0xd: {  	[smem:$0x3FB2] =	sst s5  }
0xe: {  	[smem:$0x3FB3] =	sst s6  }
0xf: {  	[smem:$0x3FB4] =	sst s7  }
0x10: {  	[smem:$0x3FB5] =	sst s8  }
0x11: {  	[smem:$0x3FB6] =	sst s9;
	s0 =	simm.s32 @!p0 $0x0  }
0x12: {  	s1 =	sld [smem:$0x3F9C];
	s0 =	simm.s32 @p0 $0x1  }
0x13: {  	[smem:$0x3FB7] =	sst s0;
	s0 =	simm.s32 @!p1 $0x0  }
0x14: {  	s2 =	sld [smem:$0x3F9B];
	s0 =	simm.s32 @p1 $0x1  }
0x15: {  	[smem:$0x3FB8] =	sst s0;
	s0 =	simm.s32 @!p2 $0x0  }
0x16: {  	s3 =	sld [smem:$0x3FDB];
	s0 =	simm.s32 @p2 $0x1  }
0x17: {  	s4 =	simm.s32 $0x1BF5;
	[smem:$0x3FBA] =	sst s0  }
0x18: {  	s0 =	sld [smem:$0x3F9D];
	_ =	swait.ge [sflag:s4], $0x0  }
0x19: {  	s7 =	sld [smem:$0x3F9E]  }
0x1a: {  	s8 =	sadd.s32 $0xFFFFE003, lr  }
0x1b: {  	s9 =	sadd.s32 $0xFFFFFEF7, lr;
	s5 =	simm.s32 $0xFFFFFFFF;
	p2 =	slt.u32 s8, $0xFFFFF086  }
0x1c: {  	p1 =	slt.u32 s9, $0xF7A;
	s5 =	simm.s32 @!p2 $0x0  }
0x1d: {  	s5 =	simm.s32 @p1 $0x1;
	p0 =	seq.s32 s7, s2  }
0x1e: {  	s7 =	smul.u32 @!p0 $0xF7A, s2;
	p2 =	seq.s32 @!p0 s5, $0x0  }
0x1f: {  	s9 =	smul.u32 $0xF7A, s1;
	s8 =	simm.s32 @!p0 $0x1BF5;
	p2 =	por !p2, p0  }
0x20: {  	[sflag:s8] =	ssyncset.s32 @!p0 $0xFFFFF086;
	s6 =	sadd.s32 @!p0 s3, s7;
	s7 =	simm.s32 @!p0 $0x108  }
0x21: {  	s3 =	sadd.s32 s3, s9;
	s6 =	sadd.s32 @!p0 $0x88, s6;
	s7 =	simm.s32 @p2 $0x1082  }
0x22: {  	[simem:s7], [sflag:s8] =	dma.local @!p0 [hbm:s6], $0xF7A  }
0x23: {  	s9 =	sor.u32 $0xD0000000, s2;
	s6 =	simm.s32 $0x108;
	_ =	swait.ge @!p0 [sflag:s8], $0x0  }
0x24: {  	s3 =	sadd.s32 $0x88, s3;
	s6 =	simm.s32 @!p1 $0x1082;
	[sflag:s4] =	ssyncset.s32 $0xFFFFF086  }
0x25: {  	[simem:s6], [sflag:s4] =	dma.local [hbm:s3], $0xF7A  }
0x26: {  	[smem:$0x3F9E] =	sst s1;
	(tag) =	ssettag s2;
	_ =	strace s9  }
0x27: {  	s1 =	sld [smem:$0x3FAE]  }
0x28: {  	s2 =	sld [smem:$0x3FAF]  }
0x29: {  	s4 =	sld [smem:$0x3FB1]  }
0x2a: {  	p0 =	seq.s32 s5, $0x0;
	s5 =	sld [smem:$0x3FB2]  }
0x2b: {  	s6 =	sld [smem:$0x3FB3]  }
0x2c: {  	s7 =	sld [smem:$0x3FB4]  }
0x2d: {  	s3 =	simm.s32 $0x108;
	s8 =	sld [smem:$0x3FB5]  }
0x2e: {  	s3 =	simm.s32 @!p0 $0x1082;
	s9 =	sld [smem:$0x3FB6]  }
0x2f: {  	lr =	sadd.s32 s0, s3;
	s0 =	sld [smem:$0x3FAD]  }
0x30: {  	s3 =	sld [smem:$0x3FB0]  }
0x31: {  	[smem:$0x3FB9] =	sst s10  }
0x32: {  	s10 =	sld [smem:$0x3FB7];
	_ =	sdelay $0x3  }
0x33: {  	p0 =	seq.s32 s10, $0x1;
	s10 =	sld [smem:$0x3FB9];
	_ =	sdelay $0x3  }
0x34: {  	[smem:$0x3FB9] =	sst s10  }
0x35: {  	s10 =	sld [smem:$0x3FB8];
	_ =	sdelay $0x3  }
0x36: {  	p1 =	seq.s32 s10, $0x1;
	s10 =	sld [smem:$0x3FB9];
	_ =	sdelay $0x3  }
0x37: {  	[smem:$0x3FB9] =	sst s10  }
0x38: {  	s10 =	sld [smem:$0x3FBA]  }
0x39: {  	_ = 	snop;
	(pc) =	sbr.ind lr, $3  }
0x3a: {  	_ = 	snop  }
0x3b: {  	_ = 	snop  }
0x3c: {  	p2 =	seq.s32 s10, $0x1;
	s10 =	sld [smem:$0x3FB9]  }
0x3d: {  	_ =	shalt  }
0x3e: {  	_ =	shalt  }
0x3f: {  	_ =	shalt  }
0x40: {  	_ =	shalt  }
0x41: {  	_ =	shalt  }
0x42: {  	_ =	shalt  }
0x43: {  	_ =	shalt  }
0x44: {  	_ =	shalt  }
0x45: {  	_ =	shalt  }
0x46: {  	_ =	shalt  }
0x47: {  	_ =	shalt  }
0x48: {  	_ =	shalt  }
0x49: {  	_ =	shalt  }
0x4a: {  	_ =	shalt  }
0x4b: {  	_ =	shalt  }
0x4c: {  	_ =	shalt  }
0x4d: {  	_ =	shalt  }
0x4e: {  	_ =	shalt  }
0x4f: {  	_ =	shalt  }
0x50: {  	_ =	shalt  }
0x51: {  	_ =	shalt  }
0x52: {  	_ =	shalt  }
0x53: {  	_ =	shalt  }
0x54: {  	_ =	shalt  }
0x55: {  	_ =	shalt  }
0x56: {  	_ =	shalt  }
0x57: {  	_ =	shalt  }
0x58: {  	_ =	shalt  }
0x59: {  	_ =	shalt  }
0x5a: {  	_ =	shalt  }
0x5b: {  	_ =	shalt  }
0x5c: {  	_ =	shalt  }
0x5d: {  	_ =	shalt  }
0x5e: {  	_ =	shalt  }
0x5f: {  	_ =	shalt  }
0x60: {  	_ =	shalt  }
0x61: {  	_ =	shalt  }
0x62: {  	_ =	shalt  }
0x63: {  	_ =	shalt  }
0x64: {  	_ =	shalt  }
0x65: {  	_ =	shalt  }
0x66: {  	_ =	shalt  }
0x67: {  	_ =	shalt  }
0x68: {  	_ =	shalt  }
0x69: {  	_ =	shalt  }
0x6a: {  	_ =	shalt  }
0x6b: {  	_ =	shalt  }
0x6c: {  	_ =	shalt  }
0x6d: {  	_ =	shalt  }
0x6e: {  	_ =	shalt  }
0x6f: {  	_ =	shalt  }
0x70: {  	_ =	shalt  }
0x71: {  	_ =	shalt  }
0x72: {  	_ =	shalt  }
0x73: {  	_ =	shalt  }
0x74: {  	_ =	shalt  }
0x75: {  	_ =	shalt  }
0x76: {  	_ =	shalt  }
0x77: {  	_ =	shalt  }
0x78: {  	_ =	shalt  }
0x79: {  	_ =	shalt  }
0x7a: {  	_ =	shalt  }
0x7b: {  	_ =	shalt  }
0x7c: {  	_ =	shalt  }
0x7d: {  	_ =	shalt  }
0x7e: {  	_ =	shalt  }
0x7f: {  	_ =	shalt  }
0x80: {  	_ =	shalt  }
0x81: {  	_ =	shalt  }
0x82: {  	_ =	shalt  }
0x83: {  	_ =	shalt  }
0x84: {  	_ =	shalt  }
0x85: {  	_ =	shalt  }
0x86: {  	_ =	shalt  }
0x87: {  	_ =	shalt  }
.Lfunc_end0:
.L_simem_size_0:
called_computation_lowered:
.L_overlay_start_0:
0x88: {  	s2 =	sld [smem:$0x3FD9]  }
0x89: {  	s3 =	sld [smem:$0x3FFE];
	_ =	sdelay $0x1  }
0x8a: {  	s1 =	srdreg.scid  }
0x8b: {  	s0 =	sand.u32 $0x1, s1  }
0x8c: {  	s17 =	sshll.u32 s0, $0xA;
	s2 =	sadd.s32 s3, s2  }
0x8d: {  	s2 =	sadd.s32 s2, s17  }
0x8e: {  	[smem:$0x3FC5] =	sst s2  }
0x8f: {  	_ = 	snop  }
0x90: {  	s2 =	sld [smem:$0x3FC9]  }
0x91: {  	s18 =	sld [smem:$0x3FC8];
	(tm) =	ssettm $0x1  }
0x92: {  	s4 =	sld [smem:$0x3FFB];
	_ =	sdelay $0x3  }
0x93: {  	_ =	strace s4  }
0x94: {  	s4 =	sld [smem:$0x3FFC];
	_ =	sdelay $0x3  }
0x95: {  	_ =	strace s4  }
0x96: {  	s4 =	sld [smem:$0x3FFD];
	_ =	sdelay $0x3  }
0x97: {  	_ =	strace s4  }
0x98: {  	_ =	strace $0x8FFFFFFF  }
0x99: {  	s19 =	sld [smem:$0x3FDB];
	_ =	sdelay $0x1  }
0x9a: {  	s5 =	simm.s32 $_scs_section_size  }
0x9b: {  	s6 =	simm.s32 $_size__tile_overlayer_lowered;
	s7 =	simm.s32 $_tile_overlayer_lowered  }
0x9c: {  	s22 =	simm.s32 $0x1BFF;
	s21 =	sshll.u32 s7, $0x1;
	s4 =	sadd.s32 s5, s19  }
0x9d: {  	s8 =	simm.s32 $0x0;
	s20 =	sshll.u32 s6, $0x1;
	s6 =	sadd.s32 s21, s4  }
0x9e: {  	[timem:s8], [sflag:s22] =	dma.local [hbm:s6], s20  }
0x9f: {  	_ =	swait.ge [sflag:s22], s20  }
0xa0: {  	s5 =	ssub.s32 $0x0, s20;
	[sflag:s22] =	ssyncset.done $0x0  }
0xa1: {  	[sflag:s22] =	ssyncadd.s32 s5;
	_ =	sdelay $0x1  }
0xa2: {  	s23 =	simm.s32 $0x1B8B  }
0xa3: {  	_ =	swait.ge [sflag:s23], $0x1  }
0xa4: {  	[sflag:s23] =	ssyncset.done $0x0  }
0xa5: {  	s25 =	simm.s32 $0x1B8E;
	s24 =	sld [smem:$0x3FFE];
	[sflag:s23] =	ssyncadd.s32 $0xFFFFFFFF  }
0xa6: {  	s26 =	simm.s32 $execute0_lowered;
	[smem:$0x3FD2] =	sst s25  }
0xa7: {  	s6 =	sshll.u32 s26, $0x1;
	_ =	strace $0x80000046;
	[dreg:$0x1] =	wrdreg $0xFFFFFFFF  }
0xa8: {  	s28 =	simm.s32 $_size_execute0_lowered;
	s4 =	sadd.s32 s4, s6;
	[dreg:$0x0] =	wrdreg $0x0  }
0xa9: {  	s6 =	sshll.u32 s28, $0x1;
	[dreg:$0x2] =	wrdreg s4  }
0xaa: {  	[dreg:$0x3] =	wrdreg s6  }
0xab: {  	[dreg:$0x4] =	wrdreg $0xC0  }
0xac: {  	_ =	task [dreg:s8], $0x5FFFF  }
0xad: {  	[dreg:$0x1] =	wrdreg $0xFFFFFFFF  }
0xae: {  	[dreg:$0x0] =	wrdreg $0x60  }
0xaf: {  	[dreg:$0x2] =	wrdreg s2  }
0xb0: {  	[dreg:$0x3] =	wrdreg s18  }
0xb1: {  	[dreg:$0x4] =	wrdreg s24  }
0xb2: {  	[dreg:$0x5] =	wrdreg $0x9  }
0xb3: {  	_ =	task.clear_ibuf [dreg:s8], $0x6FFFF;
	_ =	strace $0x90000046  }
0xb4: {  	s29 =	simm.s32 $0x9;
	_ =	strace $0x80000048  }
0xb5: {  	_ =	swait.ge [sflag:s29], $0x1  }
0xb6: {  	[sflag:s29] =	ssyncadd.s32 $0xFFFFFFFF  }
0xb7: {  	_ =	strace $0x90000048  }
0xb8: {  	_ =	sfence  }
0xb9: {  	s30 =	sld [smem:$0x0];
	_ =	sdelay $0x2  }
0xba: {  	s31 =	sshll.u32 s1, $0xD;
	s1 =	sshrl.u32 s1, $0x2  }
0xbb: {  	s3 =	sand.u32 $0x4000, s31;
	s1 =	sadd.s32 s1, s30  }
0xbc: {  	s0 =	sor.u32 s3, s0;
	s1 =	sshll.u32 s1, $0x11  }
0xbd: {  	s0 =	sor.u32 s1, s0  }
0xbe: {  	s0 =	sadd.s32 $0x8F2B, s0  }
0xbf: {  	[sflag:s0] =	ssyncadd.remote.s32 $0x1  }
0xc0: {  	_ =	sfence.sel $0xFFFF  }
0xc1: {  	[dreg:$0x0] =	wrdreg $0xFFFFFFFF;
	(pc) =	sbr.abs _section_cstart, $3  }
0xc2: {  	[dreg:$0x1] =	wrdreg $0xFFFFFFFF  }
0xc3: {  	_ =	task.clear_ibuf [dreg:s8], $0x2FFFF;
	_ =	strace $0x9FFFFFFF  }
0xc4: {  	(tm) =	ssettm $0x7FFFFFFF  }
0xc5: {  	_ =	shalt  }
tec
execute0_lowered:
.L_overlay_start_1:
0x0: {  	(tag) =	ssettag $0x1  }
0x1: {  	s8 =	rddreg [dreg:$0x0]  }
0x2: {  	s9 =	rddreg [dreg:$0x1]  }
0x3: {  	s3 =	rddreg [dreg:$0x2]  }
0x4: {  	s0 =	rddreg [dreg:$0x3]  }
0x5: {  	s4 =	srdreg.scid;
	s1 =	stileid.u32;
	s2 =	simm.s32 $0x0  }
0x6: {  	s13 =	simm.s32 $0x2000;
	s14 =	simm.s32 $0x8000;
	s15 =	simm.s32 $0x4000  }
0x7: {  	s16 =	simm.s32 $0xA000;
	s17 =	simm.s32 $0x6000;
	s18 =	simm.s32 $0xC000  }
0x8: {  	s19 =	simm.s32 $0x1;
	s20 =	simm.s32 $0xE000;
	s21 =	simm.s32 $0x2  }
0x9: {  	s22 =	simm.s32 $0xE010;
	s4 =	sand.u32 $0x1, s4;
	s5 =	sshll.u32 s1, $0x1  }
0xa: {  	s23 =	simm.s32 $0x0;
	[smem:$0x7FF] =	sst s2;
	s5 =	sor.u32 s4, s5  }
0xb: {  	_ =	strace $0x80000047;
	s4 =	ssub.s32 $0x2, s4;
	s6 =	sshll.u32 s5, $0xA  }
0xc: {  	s5 =	sshll.u32 s5, $0x1;
	s29 =	sshrl.u32 s4, $0x1;
	s7 =	sadd.s32 s6, s3  }
0xd: {  	s11 =	sadd.s32 s5, s3;
	s30 =	sor.u32 $0x168000, s6;
	s12 =	ssub.s32 s4, s29  }
0xe: {  	s31 =	sor.u32 $0x170000, s6;
	s10 =	sor.u32 $0x178000, s6;
	s3 =	sadd.s32 $0x800, s7  }
0xf: {  	s4 =	sadd.s32 s8, s30;
	s5 =	sadd.s32 s9, s30;
	s6 =	sadd.s32 s8, s31  }
0x10: {  	s7 =	sadd.s32 s9, s31;
	s8 =	sadd.s32 s8, s10;
	s9 =	sadd.s32 s9, s10  }
0x11: {  	s10 =	sadd.s32 $0x8800, s11;
	s11 =	sadd.s32 $0x8840, s11;
	s12 =	smax.u32 s12, $0x1  }
.LBB2_1:
0x12: {  	[tilespmem:s2], [sflag:$0x1] =	stream.linear.gather [hbm4b:s3+s2], $0x2000, $0x38;
	[tilespmem:$0xE080] =	vst v63  }
0x13: {  	_ = 	snop  }
0x14: {  	[tilespmem:s13], [sflag:$0x1] =	stream.linear.gather [hbm4b:s4+s2], $0x2000, $0x38;
	[tilespmem:$0xE080] =	vst v63  }
0x15: {  	_ = 	snop  }
0x16: {  	[tilespmem:s14], [sflag:$0x1] =	stream.linear.gather [hbm4b:s5+s2], $0x2000, $0x38;
	[tilespmem:$0xE080] =	vst v63  }
0x17: {  	_ = 	snop  }
0x18: {  	[tilespmem:s15], [sflag:$0x1] =	stream.linear.gather [hbm4b:s6+s2], $0x2000, $0x38;
	[tilespmem:$0xE080] =	vst v63  }
0x19: {  	_ = 	snop  }
0x1a: {  	[tilespmem:s16], [sflag:$0x1] =	stream.linear.gather [hbm4b:s7+s2], $0x2000, $0x38;
	[tilespmem:$0xE080] =	vst v63  }
0x1b: {  	_ = 	snop  }
0x1c: {  	[tilespmem:s17], [sflag:$0x1] =	stream.linear.gather [hbm4b:s8+s2], $0x2000, $0x38;
	[tilespmem:$0xE080] =	vst v63  }
0x1d: {  	_ = 	snop  }
0x1e: {  	[tilespmem:s18], [sflag:$0x1] =	stream.linear.gather [hbm4b:s9+s2], $0x2000, $0x38;
	[tilespmem:$0xE080] =	vst v63  }
0x1f: {  	_ =	swait.ge [sflag:s19], $0x2000  }
0x20: {  	[sflag:s19] =	ssyncset.done $0x0  }
0x21: {  	[sflag:s19] =	ssyncadd.s32 $0xFFFFE000  }
0x22: {  	_ =	swait.ge [sflag:s19], $0x2000  }
0x23: {  	[sflag:s19] =	ssyncset.done $0x0  }
0x24: {  	[sflag:s19] =	ssyncadd.s32 $0xFFFFE000  }
0x25: {  	_ =	swait.ge [sflag:s19], $0x2000  }
0x26: {  	[sflag:s19] =	ssyncset.done $0x0  }
0x27: {  	[sflag:s19] =	ssyncadd.s32 $0xFFFFE000  }
0x28: {  	_ =	swait.ge [sflag:s19], $0x2000  }
0x29: {  	[sflag:s19] =	ssyncset.done $0x0  }
0x2a: {  	[sflag:s19] =	ssyncadd.s32 $0xFFFFE000  }
0x2b: {  	_ =	swait.ge [sflag:s19], $0x2000  }
0x2c: {  	[sflag:s19] =	ssyncset.done $0x0  }
0x2d: {  	[sflag:s19] =	ssyncadd.s32 $0xFFFFE000  }
0x2e: {  	_ =	swait.ge [sflag:s19], $0x2000  }
0x2f: {  	[sflag:s19] =	ssyncset.done $0x0  }
0x30: {  	s24 =	simm.s32 $0x0;
	s25 =	sand.u32 $0xC00, s2;
	[sflag:s19] =	ssyncadd.s32 $0xFFFFE000  }
0x31: {  	s26 =	simm.s32 $0x0;
	s24 =	sand.u32 $0x1000, s24;
	_ =	swait.ge [sflag:s19], $0x2000  }
0x32: {  	s31 =	sand.u32 $0x380, s26;
	s24 =	sor.u32 s25, s24;
	[sflag:s19] =	ssyncset.done $0x0  }
0x33: {  	s24 =	sor.u32 s31, s24;
	[sflag:s19] =	ssyncadd.s32 $0xFFFFE000  }
0x34: {  	v0 =	vld [tilespmem:s24+$0x60]  }
0x35: {  	v1 =	vld [tilespmem:s24+$0x70]  }
0x36: {  	v2 =	vld [tilespmem:s24+$0x40]  }
0x37: {  	v3 =	vld [tilespmem:s24+$0x50]  }
0x38: {  	v4 =	vld [tilespmem:s24+$0x20]  }
0x39: {  	v5 =	vld [tilespmem:s24+$0x30]  }
0x3a: {  	v6 =	vld [tilespmem:s24+$0xC060]  }
0x3b: {  	v7 =	vld [tilespmem:s24+$0x6060]  }
0x3c: {  	v10 =	vld [tilespmem:s24+$0xC070]  }
0x3d: {  	v12 =	vld [tilespmem:s24+$0x6070]  }
0x3e: {  	v11 =	vld [tilespmem:s24+$0x0]  }
0x3f: {  	v13 =	vld [tilespmem:s24+$0x10]  }
0x40: {  	v17 =	vld [tilespmem:s24+$0xC040]  }
0x41: {  	v18 =	vld [tilespmem:s24+$0x6040]  }
0x42: {  	v24 =	vld [tilespmem:s24+$0xC050]  }
0x43: {  	v25 =	vld [tilespmem:s24+$0x6050]  }
0x44: {  	v26 =	vld [tilespmem:s24+$0x8060]  }
0x45: {  	v27 =	vld [tilespmem:s24+$0x2060]  }
0x46: {  	v28 =	vld [tilespmem:s24+$0xA060]  }
0x47: {  	v30 =	vld [tilespmem:s24+$0x4060]  }
0x48: {  	v31 =	vld [tilespmem:s24+$0x8070]  }
0x49: {  	v34 =	vld [tilespmem:s24+$0x2070]  }
0x4a: {  	v35 =	vld [tilespmem:s24+$0xA070]  }
0x4b: {  	v37 =	vld [tilespmem:s24+$0x4070]  }
0x4c: {  	v40 =	vld [tilespmem:s24+$0xC020]  }
0x4d: {  	v41 =	vld [tilespmem:s24+$0x6020]  }
0x4e: {  	v42 =	vld [tilespmem:s24+$0xC030]  }
0x4f: {  	v43 =	vld [tilespmem:s24+$0x6030]  }
0x50: {  	v44 =	vld [tilespmem:s24+$0x8040]  }
0x51: {  	v45 =	vld [tilespmem:s24+$0x2040]  }
0x52: {  	v46 =	vld [tilespmem:s24+$0xA040]  }
0x53: {  	v47 =	vld [tilespmem:s24+$0x4040]  }
0x54: {  	v48 =	vld [tilespmem:s24+$0x8050]  }
0x55: {  	v49 =	vld [tilespmem:s24+$0x2050]  }
0x56: {  	v50 =	vld [tilespmem:s24+$0xA050]  }
0x57: {  	v51 =	vld [tilespmem:s24+$0x4050]  }
0x58: {  	v52 =	vld [tilespmem:s24+$0xC000]  }
0x59: {  	v53 =	vld [tilespmem:s24+$0x6000]  }
0x5a: {  	v20 =	vld [tilespmem:s24+$0xC010]  }
0x5b: {  	v22 =	vld [tilespmem:s24+$0x6010];
	v0 =	vsub.f32 $1.000000000e+00, v0  }
0x5c: {  	v19 =	vld [tilespmem:s24+$0x8020];
	v2 =	vsub.f32 $1.000000000e+00, v2;
	v1 =	vsub.f32 $1.000000000e+00, v1  }
0x5d: {  	v21 =	vld [tilespmem:s24+$0x2020];
	v8 =	vsub.f32 $1.000000000e+00, v4;
	v3 =	vsub.f32 $1.000000000e+00, v3  }
0x5e: {  	v14 =	vld [tilespmem:s24+$0xA020];
	v9 =	vsub.f32 $1.000000000e+00, v5;
	v32 =	vsub.f32 v6, v7  }
0x5f: {  	v16 =	vld [tilespmem:s24+$0x4020];
	v11 =	vsub.f32 $1.000000000e+00, v11;
	v39 =	vsub.f32 v10, v12  }
0x60: {  	v15 =	vld [tilespmem:s24+$0x8030];
	v10 =	vsub.f32 $1.000000000e+00, v13;
	v36 =	vsub.f32 v17, v18  }
0x61: {  	v23 =	vld [tilespmem:s24+$0x2030];
	v38 =	vsub.f32 v24, v25;
	v29 =	vsub.f32 v26, v27  }
0x62: {  	v17 =	vld [tilespmem:s24+$0xA030];
	v33 =	vsub.f32 v28, v30;
	v28 =	vsub.f32 v31, v34  }
0x63: {  	v25 =	vld [tilespmem:s24+$0x4030];
	v13 =	vsub.f32 v40, v41;
	v30 =	vsub.f32 v35, v37  }
0x64: {  	v24 =	vld [tilespmem:s24+$0x8000];
	v12 =	vsub.f32 v42, v43;
	v34 =	vsub.f32 v44, v45  }
0x65: {  	v26 =	vld [tilespmem:s24+$0x2000];
	v37 =	vsub.f32 v46, v47;
	v31 =	vsub.f32 v48, v49  }
0x66: {  	v4 =	vimm.f32 $0.0e+00;
	v27 =	vld [tilespmem:s24+$0xA000];
	v18 =	vsub.f32 v52, v53;
	v40 =	vsub.f32 v50, v51  }
0x67: {  	s26 =	simm.s32 $0x0;
	s25 =	simm.s32 $0x1;
	v35 =	vld [tilespmem:s24+$0x4000];
	v7 =	vimm.f32 $0.0e+00;
	v6 =	vimm.f32 $0.0e+00;
	v5 =	vimm.f32 $0.0e+00  }
.LBB2_2:
0x68: {  	s28 =	sshll.u32 s25, $0x7;
	p0 =	sne.s32 s25, $0x3F;
	v41 =	vld [tilespmem:s24+$0x8010];
	v20 =	vsub.f32 v20, v22;
	v22 =	vmul.f32 v32, v32;
	v32 =	vmul.f32 v39, v39;
	s26 =	sadd.s32 $0x400, s26  }
0x69: {  	s30 =	sshll.u32 s25, $0x5;
	v19 =	vsub.f32 v19, v21;
	v21 =	vmul.f32 v36, v36;
	v36 =	vmul.f32 v38, v38;
	s29 =	sand.u32 $0xC00, s26;
	s28 =	sand.u32 $0x1000, s28;
	v39 =	vld [tilespmem:s24+$0x2010]  }
0x6a: {  	v42 =	vsub.f32 v14, v16;
	v29 =	vmul.f32 v29, v29;
	v33 =	vmul.f32 v33, v33;
	s28 =	sor.u32 s29, s28;
	s29 =	sand.u32 $0x380, s30;
	v38 =	vld [tilespmem:s24+$0xA010]  }
0x6b: {  	v23 =	vsub.f32 v15, v23;
	v28 =	vmul.f32 v28, v28;
	v30 =	vmul.f32 v30, v30;
	v43 =	vld [tilespmem:s24+$0x4010];
	s24 =	sor.u32 s29, s28  }
0x6c: {  	v25 =	vsub.f32 v17, v25;
	v34 =	vmul.f32 v34, v34;
	v37 =	vmul.f32 v37, v37;
	v14 =	vld [tilespmem:s24+$0x60]  }
0x6d: {  	v24 =	vsub.f32 v24, v26;
	v26 =	vmul.f32 v31, v31;
	v31 =	vmul.f32 v40, v40;
	v15 =	vld [tilespmem:s24+$0x70]  }
0x6e: {  	v19 =	vmul.f32 v19, v19;
	v27 =	vsub.f32 v27, v35;
	v35 =	vmul.f32 v42, v42;
	v16 =	vld [tilespmem:s24+$0x40]  }
0x6f: {  	v23 =	vmul.f32 v23, v23;
	v25 =	vmul.f32 v25, v25;
	v39 =	vsub.f32 v41, v39;
	v17 =	vld [tilespmem:s24+$0x50]  }
0x70: {  	v24 =	vmul.f32 v24, v24;
	v27 =	vmul.f32 v27, v27;
	v40 =	vld [tilespmem:s24+$0x20];
	v38 =	vsub.f32 v38, v43  }
0x71: {  	v29 =	vadd.f32 v33, v29;
	v28 =	vadd.f32 v30, v28;
	v39 =	vmul.f32 v39, v39;
	v41 =	vld [tilespmem:s24+$0x30]  }
0x72: {  	v34 =	vadd.f32 v37, v34;
	v26 =	vadd.f32 v31, v26;
	v30 =	vld [tilespmem:s24+$0xC060];
	v33 =	vmul.f32 v38, v38  }
0x73: {  	v18 =	vmul.f32 v18, v18;
	v19 =	vadd.f32 v35, v19;
	v24 =	vadd.f32 v27, v24;
	v31 =	vld [tilespmem:s24+$0x6060]  }
0x74: {  	v20 =	vmul.f32 v20, v20;
	v23 =	vadd.f32 v25, v23;
	v27 =	vld [tilespmem:s24+$0xC070];
	v33 =	vadd.f32 v33, v39  }
0x75: {  	v13 =	vmul.f32 v13, v13;
	v22 =	vadd.f32 v22, v29;
	v18 =	vadd.f32 v18, v24;
	v25 =	vld [tilespmem:s24+$0x6070]  }
0x76: {  	v12 =	vmul.f32 v12, v12;
	v28 =	vadd.f32 v32, v28;
	v24 =	vld [tilespmem:s24+$0x0];
	v20 =	vadd.f32 v20, v33  }
0x77: {  	v13 =	vadd.f32 v13, v19;
	v19 =	vadd.f32 v21, v34;
	v18 =	vmul.f32 v18, v11;
	v29 =	vld [tilespmem:s24+$0x10]  }
0x78: {  	v12 =	vadd.f32 v12, v23;
	v21 =	vadd.f32 v36, v26;
	v33 =	vld [tilespmem:s24+$0xC040];
	v20 =	vmul.f32 v20, v10  }
0x79: {  	v7 =	vadd.f32 v11, v7;
	v11 =	vmul.f32 v13, v8;
	v4 =	vadd.f32 v18, v4;
	v26 =	vld [tilespmem:s24+$0x6040]  }
0x7a: {  	v5 =	vadd.f32 v10, v5;
	v10 =	vmul.f32 v12, v9;
	v13 =	vld [tilespmem:s24+$0xC050];
	v6 =	vadd.f32 v20, v6  }
0x7b: {  	v7 =	vadd.f32 v8, v7;
	v8 =	vmul.f32 v19, v2;
	v4 =	vadd.f32 v11, v4;
	v12 =	vld [tilespmem:s24+$0x6050]  }
0x7c: {  	v5 =	vadd.f32 v9, v5;
	v9 =	vmul.f32 v21, v3;
	v18 =	vld [tilespmem:s24+$0x8060];
	v6 =	vadd.f32 v10, v6  }
0x7d: {  	v2 =	vadd.f32 v2, v7;
	v7 =	vmul.f32 v22, v0;
	v4 =	vadd.f32 v8, v4;
	v34 =	vld [tilespmem:s24+$0x2060]  }
0x7e: {  	v3 =	vadd.f32 v3, v5;
	v5 =	vmul.f32 v28, v1;
	v35 =	vld [tilespmem:s24+$0xA060];
	v6 =	vadd.f32 v9, v6  }
0x7f: {  	v4 =	vadd.f32 v7, v4;
	v7 =	vadd.f32 v0, v2;
	v28 =	vld [tilespmem:s24+$0x4060]  }
0x80: {  	v37 =	vld [tilespmem:s24+$0x8070];
	v6 =	vadd.f32 v5, v6;
	v5 =	vadd.f32 v1, v3  }
0x81: {  	v42 =	vld [tilespmem:s24+$0x2070]  }
0x82: {  	v43 =	vld [tilespmem:s24+$0xA070]  }
0x83: {  	v44 =	vld [tilespmem:s24+$0x4070]  }
0x84: {  	v45 =	vld [tilespmem:s24+$0xC020]  }
0x85: {  	v46 =	vld [tilespmem:s24+$0x6020]  }
0x86: {  	v47 =	vld [tilespmem:s24+$0xC030]  }
0x87: {  	v48 =	vld [tilespmem:s24+$0x6030]  }
0x88: {  	v49 =	vld [tilespmem:s24+$0x8040]  }
0x89: {  	v50 =	vld [tilespmem:s24+$0x2040]  }
0x8a: {  	v51 =	vld [tilespmem:s24+$0xA040]  }
0x8b: {  	v52 =	vld [tilespmem:s24+$0x4040]  }
0x8c: {  	v53 =	vld [tilespmem:s24+$0x8050]  }
0x8d: {  	v54 =	vld [tilespmem:s24+$0x2050]  }
0x8e: {  	v55 =	vld [tilespmem:s24+$0xA050]  }
0x8f: {  	v56 =	vld [tilespmem:s24+$0x4050]  }
0x90: {  	v57 =	vld [tilespmem:s24+$0xC000]  }
0x91: {  	v58 =	vld [tilespmem:s24+$0x6000]  }
0x92: {  	v20 =	vld [tilespmem:s24+$0xC010]  }
0x93: {  	v22 =	vld [tilespmem:s24+$0x6010]  }
0x94: {  	v0 =	vsub.f32 $1.000000000e+00, v14;
	v19 =	vld [tilespmem:s24+$0x8020]  }
0x95: {  	v2 =	vsub.f32 $1.000000000e+00, v16;
	v1 =	vsub.f32 $1.000000000e+00, v15;
	v21 =	vld [tilespmem:s24+$0x2020]  }
0x96: {  	v8 =	vsub.f32 $1.000000000e+00, v40;
	v3 =	vsub.f32 $1.000000000e+00, v17;
	v14 =	vld [tilespmem:s24+$0xA020]  }
0x97: {  	v32 =	vsub.f32 v30, v31;
	v9 =	vsub.f32 $1.000000000e+00, v41;
	v16 =	vld [tilespmem:s24+$0x4020]  }
0x98: {  	v39 =	vsub.f32 v27, v25;
	v11 =	vsub.f32 $1.000000000e+00, v24;
	v15 =	vld [tilespmem:s24+$0x8030]  }
0x99: {  	v10 =	vsub.f32 $1.000000000e+00, v29;
	v36 =	vsub.f32 v33, v26;
	v23 =	vld [tilespmem:s24+$0x2030]  }
0x9a: {  	v38 =	vsub.f32 v13, v12;
	v29 =	vsub.f32 v18, v34;
	v17 =	vld [tilespmem:s24+$0xA030]  }
.Ltmp0:
0x9b: {  	v33 =	vsub.f32 v35, v28;
	v28 =	vsub.f32 v37, v42;
	v25 =	vld [tilespmem:s24+$0x4030];
	(pc) =	sbr.rel @p0 .LBB2_2-.Ltmp0, $4  }
0x9c: {  	v30 =	vsub.f32 v43, v44;
	v13 =	vsub.f32 v45, v46;
	v24 =	vld [tilespmem:s24+$0x8000]  }
0x9d: {  	v12 =	vsub.f32 v47, v48;
	v34 =	vsub.f32 v49, v50;
	v26 =	vld [tilespmem:s24+$0x2000]  }
0x9e: {  	v37 =	vsub.f32 v51, v52;
	v31 =	vsub.f32 v53, v54;
	v27 =	vld [tilespmem:s24+$0xA000]  }
0x9f: {  	s25 =	sadd.s32 $0x1, s25;
	v40 =	vsub.f32 v55, v56;
	v18 =	vsub.f32 v57, v58;
	v35 =	vld [tilespmem:s24+$0x4000]  }
0xa0: {  	v41 =	vld [tilespmem:s24+$0x8010];
	v20 =	vsub.f32 v20, v22;
	v52 =	vmul.f32 v32, v32;
	v53 =	vmul.f32 v39, v39  }
0xa1: {  	v54 =	vld [tilespmem:s24+$0x2010];
	v19 =	vsub.f32 v19, v21;
	v55 =	vmul.f32 v36, v36;
	v58 =	vmul.f32 v29, v29  }
0xa2: {  	v57 =	vld [tilespmem:s24+$0xA010];
	v14 =	vsub.f32 v14, v16;
	v59 =	vmul.f32 v33, v33;
	v61 =	vmul.f32 v28, v28  }
0xa3: {  	v60 =	vld [tilespmem:s24+$0x4010];
	v15 =	vsub.f32 v15, v23;
	v62 =	vmul.f32 v30, v30;
	v63 =	vmul.f32 v34, v34  }
0xa4: {  	v17 =	vsub.f32 v17, v25;
	v42 =	vmul.f32 v37, v37;
	v43 =	vmul.f32 v31, v31  }
0xa5: {  	v7 =	vadd.f32 v11, v7;
	v5 =	vadd.f32 v10, v5;
	v44 =	vmul.f32 v40, v40  }
0xa6: {  	v18 =	vmul.f32 v18, v18;
	v24 =	vsub.f32 v24, v26;
	v19 =	vmul.f32 v19, v19  }
0xa7: {  	v14 =	vmul.f32 v14, v14;
	v16 =	vadd.f32 v59, v58;
	v27 =	vsub.f32 v27, v35  }
0xa8: {  	v15 =	vmul.f32 v15, v15;
	v45 =	vsub.f32 v41, v54;
	v33 =	vsub.f32 v57, v60  }
0xa9: {  	v23 =	vadd.f32 v62, v61;
	v24 =	vmul.f32 v24, v24;
	v27 =	vmul.f32 v27, v27  }
0xaa: {  	v25 =	vadd.f32 v42, v63;
	v34 =	vmul.f32 v45, v45;
	v46 =	vmul.f32 v33, v33  }
0xab: {  	v17 =	vmul.f32 v17, v17;
	v26 =	vadd.f32 v44, v43;
	v14 =	vadd.f32 v14, v19  }
0xac: {  	v20 =	vmul.f32 v20, v20;
	v24 =	vadd.f32 v27, v24;
	v47 =	vadd.f32 v46, v34  }
0xad: {  	v13 =	vmul.f32 v13, v13;
	v15 =	vadd.f32 v17, v15;
	v16 =	vadd.f32 v52, v16  }
0xae: {  	v12 =	vmul.f32 v12, v12;
	v48 =	vadd.f32 v18, v24;
	v49 =	vadd.f32 v20, v47  }
0xaf: {  	v56 =	vmul.f32 v38, v38;
	v50 =	vadd.f32 v53, v23;
	v13 =	vadd.f32 v13, v14  }
0xb0: {  	v12 =	vadd.f32 v12, v15;
	v17 =	vmul.f32 v48, v11;
	v18 =	vmul.f32 v49, v10  }
0xb1: {  	v51 =	vadd.f32 v55, v25;
	v52 =	vadd.f32 v56, v26;
	v13 =	vmul.f32 v13, v8  }
0xb2: {  	v53 =	vmul.f32 v12, v9;
	v4 =	vadd.f32 v17, v4;
	v6 =	vadd.f32 v18, v6  }
0xb3: {  	v7 =	vadd.f32 v8, v7;
	v5 =	vadd.f32 v9, v5;
	v54 =	vmul.f32 v51, v2  }
0xb4: {  	v55 =	vmul.f32 v52, v3;
	v4 =	vadd.f32 v13, v4;
	v6 =	vadd.f32 v53, v6  }
0xb5: {  	v58 =	vadd.f32 v2, v7;
	v59 =	vadd.f32 v3, v5;
	v56 =	vmul.f32 v16, v0  }
0xb6: {  	v57 =	vmul.f32 v50, v1;
	v4 =	vadd.f32 v54, v4;
	v6 =	vadd.f32 v55, v6  }
0xb7: {  	v61 =	vadd.f32 v0, v58;
	v62 =	vadd.f32 v1, v59  }
0xb8: {  	v4 =	vadd.f32 v56, v4;
	v60 =	vadd.f32 v57, v6  }
0xb9: {  	v0 =	vadd.f32 v62, v61  }
0xba: {  	v63 =	vadd.f32 v60, v4  }
0xbb: {  	[tilespmem:$0xE010] =	vst v0  }
0xbc: {  	[tilespmem:$0xE000] =	vst v63  }
0xbd: {  	[hbm4b:s10+s2] =	stream.linear.scatter [tilespmem:s20], [sflag:$0x2], $0x10, $0x38;
	[tilespmem:$0xE080] =	vst v63  }
0xbe: {  	s23 =	sadd.s32 $0x1, s23;
	_ =	swait.ge [sflag:s21], $0x10  }
0xbf: {  	p0 =	sne.s32 s23, s12;
	[sflag:s21] =	ssyncset.done $0x0  }
.Ltmp1:
0xc0: {  	[sflag:s21] =	ssyncadd.s32 $0xFFFFFFF0;
	(pc) =	sbr.rel @p0 .LBB2_1-.Ltmp1, $4  }
0xc1: {  	[hbm4b:s11+s2] =	stream.linear.scatter [tilespmem:s22], [sflag:$0x2], $0x10, $0x38;
	[tilespmem:$0xE080] =	vst v63  }
0xc2: {  	_ =	swait.ge [sflag:s21], $0x10  }
0xc3: {  	[sflag:s21] =	ssyncset.done $0x0  }
0xc4: {  	[sflag:s21] =	ssyncadd.s32 $0xFFFFFFF0  }
0xc5: {  	_ =	sfence.sel $0x180000  }
0xc6: {  	[bflag:$0x0] =	sbarrier.arrive $0xFFFF  }
0xc7: {  	p0 =	sne.s32 s1, $0x0;
	_ =	strace $0x90000047  }
0xc8: {  	s0 =	sadd.s32 @!p0 $0x100000, s0;
	[bflag:$0x2] =	sbarrier.arrive $0xFFFF  }
0xc9: {  	[sflag:s0] =	ssyncadd.tile.s32 @!p0 $0x1;
	_ =	shalt  }
.Lfunc_end2:
_tile_overlayer_lowered:
.L_overlay_start_2:
0xca: {  	(tag) =	ssettag $0x2  }
0xcb: {  	s0 =	rddreg [dreg:$0x0];
	s2 =	stileid.u32  }
0xcc: {  	s1 =	rddreg [dreg:$0x1];
	p0 =	sne.s32 s2, $0x0  }
0xcd: {  	s3 =	rddreg [dreg:$0x2];
	[bflag:$0x3] =	sbarrier.arrive $0xFFFF;
	s2 =	simm.s32 @!p0 $0x1C02  }
0xce: {  	[timem:s3], [sflag:s2] =	dma.local @!p0 [hbm:s0], s1  }
0xcf: {  	s0 =	simm.s32 @!p0 $0x2  }
0xd0: {  	_ =	swait.ge @!p0 [sflag:s0], s1  }
0xd1: {  	s1 =	ssub.s32 @!p0 $0x0, s1;
	[sflag:s0] =	ssyncset.done @!p0 $0x0  }
0xd2: {  	[sflag:s0] =	ssyncadd.s32 @!p0 s1  }
0xd3: {  	[bflag:$0x3] =	sbarrier.arrive $0xFFFF  }
0xd4: {  	_ =	shalt  }

</sc_bundles>
